<compile_context>
chip_gen: v7x
topology: tpu7x:2x2x1
jax: 0.10.2.dev20260603
libtpu: 0.0.44.dev20260713+nightly
codegen_flags: <defaults>
</compile_context>

<pallas_src>
import functools

import jax
import jax.numpy as jnp
from jax import lax
from jax.experimental import pallas as pl
from jax.experimental.pallas import tpu as pltpu
from jax.experimental.pallas import tpu_sc as plsc

CHUNK = 128
LOG2E = 1.4426950408889634
LN2 = 0.6931471805599453


def _softplus_fast(x):
  e = jnp.exp2(jnp.abs(x) * (-LOG2E))
  return jnp.maximum(x, 0.0) + jnp.log2(1.0 + e) * LN2


def _stream_pass(logits, c_t=2048):
  b, c = logits.shape
  ncb = (c + c_t - 1) // c_t
  pairs = c_t // (2 * CHUNK)
  cp = ncb * pairs
  valid_last = c - (ncb - 1) * c_t

  def body(x_ref, acc_ref, tab_ref):
    j = pl.program_id(0)

    @pl.when(j == 0)
    def _():
      acc_ref[...] = jnp.zeros_like(acc_ref)

    x = x_ref[...]
    u = lax.bitcast_convert_type(x, jnp.uint32)
    for p in range(pairs):
      lo = u[:, 2 * p * CHUNK:(2 * p + 1) * CHUNK] >> 16
      hi = u[:, (2 * p + 1) * CHUNK:(2 * p + 2) * CHUNK] & jnp.uint32(
          0xFFFF0000)
      tab_ref[:, p, :] = lax.bitcast_convert_type(hi | lo, jnp.int32)
    y = _softplus_fast(x)

    def accum(y):
      acc = acc_ref[...]
      for s in range(c_t // 128):
        acc = acc + y[:, s * 128:(s + 1) * 128]
      acc_ref[...] = acc

    @pl.when(j < ncb - 1)
    def _():
      accum(y)

    @pl.when(j == ncb - 1)
    def _():
      col = lax.broadcasted_iota(jnp.int32, (b, c_t), 1)
      accum(jnp.where(col < valid_last, y, 0.0))

  return pl.pallas_call(
      body,
      grid=(ncb,),
      in_specs=[pl.BlockSpec((b, c_t), lambda j: (0, j))],
      out_specs=[
          pl.BlockSpec((b, 128), lambda j: (0, 0)),
          pl.BlockSpec((b, pairs, CHUNK), lambda j: (0, j, 0)),
      ],
      out_shape=[
          jax.ShapeDtypeStruct((b, 128), jnp.float32),
          jax.ShapeDtypeStruct((b, cp, CHUNK), jnp.int32),
      ],
  )(logits)


def _gather_chunks(table, chunk_idx):
  n = chunk_idx.shape[0]
  info = plsc.get_sparse_core_info()
  nw = info.num_cores * info.num_subcores
  per_w = n // nw
  assert n % (8 * nw) == 0
  mesh = plsc.VectorSubcoreMesh(core_axis_name="c", subcore_axis_name="s")

  @functools.partial(
      pl.kernel,
      mesh=mesh,
      out_type=jax.ShapeDtypeStruct((n, CHUNK), jnp.int32),
      scratch_types=[
          pltpu.VMEM((per_w,), jnp.int32),
          pltpu.VMEM((per_w, CHUNK), jnp.int32),
          pltpu.SemaphoreType.DMA,
      ],
  )
  def sc_kernel(tab_hbm, idx_hbm, out_hbm, idx_v, rows_v, sem):
    wid = lax.axis_index("s") * info.num_cores + lax.axis_index("c")
    base = wid * per_w
    pltpu.sync_copy(idx_hbm.at[pl.ds(base, per_w)], idx_v)
    pltpu.async_copy(tab_hbm.at[idx_v], rows_v, sem).wait()
    pltpu.sync_copy(rows_v, out_hbm.at[pl.ds(base, per_w)])

  return sc_kernel(table, chunk_idx)


def _combine(row_acc, g_rows, cand, c):
  b = row_acc.shape[0]
  k = cand.shape[1]

  def body(acc_ref, g_ref, cand_ref, out_ref):
    row_sum = jnp.sum(acc_ref[...], axis=1, keepdims=True)
    cd = cand_ref[...]
    gi = g_ref[...]
    lanes = lax.broadcasted_iota(jnp.int32, (b, CHUNK), 1)
    hi_mask = jnp.int32(-65536)
    gs = []
    for kk in range(k):
      cdk = cd[:, kk:kk + 1]
      sel = lanes == (cdk % CHUNK)
      row = jnp.where(sel, gi[:, kk * CHUNK:(kk + 1) * CHUNK], 0)
      packed = jnp.sum(row, axis=1, keepdims=True)
      half_hi = (cdk // CHUNK) % 2 == 1
      bits = jnp.where(half_hi, packed & hi_mask, packed << 16)
      gs.append(lax.bitcast_convert_type(bits, jnp.float32))
    pos = gs[0]
    for kk in range(1, k):
      pos = pos + gs[kk]
    pos = pos / k
    sub = _softplus_fast(gs[0])
    n_uniq = jnp.ones((b, 1), jnp.float32)
    for kk in range(1, k):
      w = jnp.ones((b, 1), jnp.float32)
      for jj in range(kk):
        w = w * (cd[:, kk:kk + 1] != cd[:, jj:jj + 1]).astype(jnp.float32)
      sub = sub + w * _softplus_fast(gs[kk])
      n_uniq = n_uniq + w
    neg = (row_sum - sub) / (c - n_uniq)
    per = _softplus_fast(-pos) + neg
    out_ref[0, 0] = jnp.sum(per) / b

  return pl.pallas_call(
      body,
      out_specs=pl.BlockSpec(memory_space=pltpu.SMEM),
      out_shape=jax.ShapeDtypeStruct((1, 1), jnp.float32),
  )(row_acc, g_rows, cand)


def kernel(logits, candidates):
  b, c = logits.shape
  k = candidates.shape[1]
  cand = candidates.astype(jnp.int32)
  row_acc, table = _stream_pass(logits)
  cp = table.shape[1]
  chunk_idx = (
      jnp.arange(b, dtype=jnp.int32)[:, None] * cp + cand // (2 * CHUNK)
  ).reshape(b * k)
  g = _gather_chunks(table.reshape(b * cp, CHUNK), chunk_idx)
  loss = _combine(row_acc, g.reshape(b, k * CHUNK), cand, c)
  return loss[0, 0]

# --- scband reference (transcript-rebuilt; emitter-appended) ---
"""Pipeline reference for scband-clplloss-31688268709966 (READ-ONLY COPY).

The authoritative reference and input builder live on the scoring server;
editing this copy changes nothing except your own understanding.
"""

import jax, jax.numpy as jnp
import numpy as np


def setup_inputs(seed: int = 0) -> dict:
    key = jax.random.key(seed)
    k1, k2 = jax.random.split(key)
    B, C, K = 1024, 100000, 5
    logits = jax.random.normal(k1, (B, C), dtype=jnp.float32)
    candidates = jax.random.randint(k2, (B, K), 0, C).astype(jnp.int64)
    return {"logits": logits, "candidates": candidates}


def reference(logits, candidates):
    # Vectorized, faithful translation of CLPLLoss.forward.
    # Every sample has a non-empty candidate list (K=5), so the empty-branch
    # (arange over all classes) is never taken.
    B, C = logits.shape
    # pos_score_i = logits[i, cand_i].mean()  (duplicates counted, as in torch)
    pos = jnp.take_along_axis(logits, candidates, axis=1).mean(axis=1)
    # mask[i, cand_i] = False  (scatter-overwrite; duplicates collapse, as in torch)
    mask = jnp.ones((B, C), dtype=bool)
    mask = mask.at[jnp.arange(B)[:, None], candidates].set(False)
    # neg_loss_i = softplus(logits[i, mask_i]).mean() over non-candidate classes
    sp = jax.nn.softplus(logits)
    neg_sum = jnp.sum(jnp.where(mask, sp, 0.0), axis=1)
    neg_cnt = jnp.sum(mask, axis=1)
    neg = jnp.where(neg_cnt > 0, neg_sum / jnp.maximum(neg_cnt, 1).astype(sp.dtype), 0.0)
    per_sample = jax.nn.softplus(-pos) + neg
    loss = jnp.sum(per_sample) / B
    return loss

if __name__ == "__main__":
    import jax
    _d = setup_inputs()
    print(jax.jit(kernel)(*tuple(_d.values())))

</pallas_src>

<mosaic_0001>
#map = affine_map<(d0, d1) -> (0, 0)>
#map1 = affine_map<(d0, d1) -> (0)>
module attributes {stable_mosaic.version = 14 : i64} {
  func.func @sc_kernel(%arg0: i32, %arg1: i32, %arg2: memref<401408x128xi32, #tpu.memory_space<hbm>>, %arg3: memref<5120xi32, #tpu.memory_space<hbm>>, %arg4: memref<5120x128xi32, #tpu.memory_space<hbm>>, %arg5: memref<160xi32, #tpu.memory_space<vmem>>, %arg6: memref<160x128xi32, #tpu.memory_space<vmem>>, %arg7: memref<!tpu.dma_semaphore, #tpu.memory_space<semaphore_mem>>) attributes {dimension_semantics = [#tpu.dimension_semantics<core_parallel>, #tpu.dimension_semantics<subcore_parallel>], iteration_bounds = array<i64: 2, 16>, scalar_prefetch = 0 : i64, scratch_operands = 3 : i64, tpu.core_type = #tpu.core_type<sc_vector_subcore>, window_params = [{transform_indices = #map}, {transform_indices = #map1}, {transform_indices = #map}]} {
    %mul3A = arith.constant 2 : i32
    %mul3A_0 = arith.muli %arg1, %mul3A : i32
    %add3A = arith.addi %mul3A_0, %arg0 : i32
    %mul3A_1 = arith.constant 160 : i32
    %mul3A_2 = arith.muli %add3A, %mul3A_1 : i32
    "tpu.region"() ({
      %run_scoped3A = tpu.sem_alloc : memref<!tpu.dma_semaphore, #tpu.memory_space<semaphore_mem>>
      %dma_start3A_7 = tpu.memref_slice %arg3[%mul3A_2] : memref<5120xi32, #tpu.memory_space<hbm>> -> memref<160xi32, #tpu.memory_space<hbm>>
      %dma_start3A_8 = tpu.memref_slice %arg3[%mul3A_2] : memref<5120xi32, #tpu.memory_space<hbm>> -> memref<160xi32, #tpu.memory_space<hbm>>
      tpu.enqueue_dma source(%dma_start3A_8 : memref<160xi32, #tpu.memory_space<hbm>>) target(%arg5 : memref<160xi32, #tpu.memory_space<vmem>>) target_semaphore(%run_scoped3A : memref<!tpu.dma_semaphore, #tpu.memory_space<semaphore_mem>>)
      %dma_wait3A_9 = tpu.memref_slice %arg3[%mul3A_2] : memref<5120xi32, #tpu.memory_space<hbm>> -> memref<160xi32, #tpu.memory_space<hbm>>
      %dma_wait3A_10 = tpu.memref_slice %arg3[%mul3A_2] : memref<5120xi32, #tpu.memory_space<hbm>> -> memref<160xi32, #tpu.memory_space<hbm>>
      tpu.wait_dma2 semaphore(%run_scoped3A : memref<!tpu.dma_semaphore, #tpu.memory_space<semaphore_mem>>) src(%dma_wait3A_10 : memref<160xi32, #tpu.memory_space<hbm>>) dst(%arg5 : memref<160xi32, #tpu.memory_space<vmem>>)
      tpu.yield
    }) : () -> ()
    %dma_start3A = arith.constant 0 : i32
    %dma_start3A_3 = arith.constant 0 : i32
    %dma_start3A_4 = tpu.memref_slice %arg2[%dma_start3A, %dma_start3A_3] : memref<401408x128xi32, #tpu.memory_space<hbm>> -> memref<401408x128xi32, #tpu.memory_space<hbm>>
    tpu.enqueue_indirect_dma source(%dma_start3A_4 : memref<401408x128xi32, #tpu.memory_space<hbm>>) target(%arg6 : memref<160x128xi32, #tpu.memory_space<vmem>>) offsets(%arg5 : memref<160xi32, #tpu.memory_space<vmem>>) semaphore(%arg7 : memref<!tpu.dma_semaphore, #tpu.memory_space<semaphore_mem>>)
    %dma_wait3A = arith.constant 0 : i32
    %dma_wait3A_5 = arith.constant 0 : i32
    %dma_wait3A_6 = tpu.memref_slice %arg2[%dma_wait3A, %dma_wait3A_5] : memref<401408x128xi32, #tpu.memory_space<hbm>> -> memref<401408x128xi32, #tpu.memory_space<hbm>>
    tpu.wait_indirect_dma semaphore(%arg7 : memref<!tpu.dma_semaphore, #tpu.memory_space<semaphore_mem>>) src(%dma_wait3A_6 : memref<401408x128xi32, #tpu.memory_space<hbm>>) dst(%arg6 : memref<160x128xi32, #tpu.memory_space<vmem>>)
    "tpu.region"() ({
      %run_scoped3A = tpu.sem_alloc : memref<!tpu.dma_semaphore, #tpu.memory_space<semaphore_mem>>
      %dma_start3A_7 = arith.constant 0 : i32
      %dma_start3A_8 = tpu.memref_slice %arg4[%mul3A_2, %dma_start3A_7] : memref<5120x128xi32, #tpu.memory_space<hbm>> -> memref<160x128xi32, #tpu.memory_space<hbm>>
      %dma_start3A_9 = arith.constant 0 : i32
      %dma_start3A_10 = tpu.memref_slice %arg4[%mul3A_2, %dma_start3A_9] : memref<5120x128xi32, #tpu.memory_space<hbm>> -> memref<160x128xi32, #tpu.memory_space<hbm>>
      tpu.enqueue_dma source(%arg6 : memref<160x128xi32, #tpu.memory_space<vmem>>) target(%dma_start3A_10 : memref<160x128xi32, #tpu.memory_space<hbm>>) target_semaphore(%run_scoped3A : memref<!tpu.dma_semaphore, #tpu.memory_space<semaphore_mem>>)
      %dma_wait3A_11 = arith.constant 0 : i32
      %dma_wait3A_12 = tpu.memref_slice %arg4[%mul3A_2, %dma_wait3A_11] : memref<5120x128xi32, #tpu.memory_space<hbm>> -> memref<160x128xi32, #tpu.memory_space<hbm>>
      %dma_wait3A_13 = arith.constant 0 : i32
      %dma_wait3A_14 = tpu.memref_slice %arg4[%mul3A_2, %dma_wait3A_13] : memref<5120x128xi32, #tpu.memory_space<hbm>> -> memref<160x128xi32, #tpu.memory_space<hbm>>
      tpu.wait_dma2 semaphore(%run_scoped3A : memref<!tpu.dma_semaphore, #tpu.memory_space<semaphore_mem>>) src(%arg6 : memref<160x128xi32, #tpu.memory_space<vmem>>) dst(%dma_wait3A_14 : memref<160x128xi32, #tpu.memory_space<hbm>>)
      tpu.yield
    }) : () -> ()
    return
  }
}

module attributes {stable_mosaic.version = 14 : i64} {
  func.func @body(%arg0: i32, %arg1: memref<1024x2048xf32, #tpu.memory_space<vmem>>, %arg2: memref<1024x128xf32, #tpu.memory_space<vmem>>, %arg3: memref<1024x8x128xi32, #tpu.memory_space<vmem>>) attributes {dimension_semantics = [#tpu.dimension_semantics<arbitrary>], iteration_bounds = array<i64: 49>, scalar_prefetch = 0 : i64, scratch_operands = 0 : i64, tpu.core_type = #tpu.core_type<tc>, window_params = [{transform_indices = @transform_0, window_bounds = array<i64: 1024, 2048>}, {pipeline_mode = #tpu.pipeline_mode<synchronous>, transform_indices = @transform_1, window_bounds = array<i64: 1024, 128>}, {transform_indices = @transform_2, window_bounds = array<i64: 1024, 8, 128>}]} {
    %eq3A = arith.constant 0 : i32
    %eq3A_0 = arith.cmpi eq, %arg0, %eq3A : i32
    %convert_element_type3A = arith.extui %eq3A_0 : i1 to i32
    %cond3A = arith.constant 0 : i32
    %cond3A_1 = arith.cmpi ne, %convert_element_type3A, %cond3A : i32
    scf.if %cond3A_1 {
      %broadcast_in_dim3A = arith.constant 0.000000e+00 : f32
      %broadcast_in_dim3A_149 = vector.broadcast %broadcast_in_dim3A : f32 to vector<1024x128xf32>
      %swap3A_150 = arith.constant 0 : index
      %swap3A_151 = arith.constant 0 : index
      %swap3A_152 = vector.load %arg2[%swap3A_150, %swap3A_151] : memref<1024x128xf32, #tpu.memory_space<vmem>>, vector<1024x128xf32>
      tpu.vector_store %arg2[%swap3A_150, %swap3A_151], %broadcast_in_dim3A_149 {strides = array<i32>} : memref<1024x128xf32, #tpu.memory_space<vmem>>, vector<1024x128xf32>,
    } else {
    }
    %get3A = arith.constant 0 : index
    %get3A_2 = arith.constant 0 : index
    %get3A_3 = vector.load %arg1[%get3A, %get3A_2] : memref<1024x2048xf32, #tpu.memory_space<vmem>>, vector<1024x2048xf32>
    %bitcast_convert_type3A = tpu.bitcast %get3A_3 : vector<1024x2048xf32> -> vector<1024x2048xi32>
    %slice3A = vector.extract_strided_slice %bitcast_convert_type3A {offsets = [0, 0], sizes = [1024, 128], strides = [1, 1]} : vector<1024x2048xi32> to vector<1024x128xi32>
    %shift_right_logical3A = arith.constant 16 : i32
    %shift_right_logical3A_4 = vector.broadcast %shift_right_logical3A : i32 to vector<1024x128xi32>
    %shift_right_logical3A_5 = arith.shrui %slice3A, %shift_right_logical3A_4 : vector<1024x128xi32>
    %slice3A_6 = vector.extract_strided_slice %bitcast_convert_type3A {offsets = [0, 128], sizes = [1024, 128], strides = [1, 1]} : vector<1024x2048xi32> to vector<1024x128xi32>
    %and3A = arith.constant -65536 : i32
    %and3A_7 = vector.broadcast %and3A : i32 to vector<1024x128xi32>
    %and3A_8 = arith.andi %slice3A_6, %and3A_7 : vector<1024x128xi32>
    %or3A = arith.ori %and3A_8, %shift_right_logical3A_5 : vector<1024x128xi32>
    %bitcast_convert_type3A_9 = tpu.bitcast %or3A : vector<1024x128xi32> -> vector<1024x128xi32>
    %swap3A = arith.constant 0 : index
    %swap3A_10 = arith.constant 0 : index
    %swap3A_11 = arith.constant 0 : index
    %swap3A_12 = vector.load %arg3[%swap3A, %swap3A_10, %swap3A_11] : memref<1024x8x128xi32, #tpu.memory_space<vmem>>, vector<1024x1x128xi32>
    %swap3A_13 = vector.shape_cast %swap3A_12 : vector<1024x1x128xi32> to vector<1024x128xi32>
    %swap3A_14 = vector.shape_cast %bitcast_convert_type3A_9 : vector<1024x128xi32> to vector<1024x1x128xi32>
    tpu.vector_store %arg3[%swap3A, %swap3A_10, %swap3A_11], %swap3A_14 {strides = array<i32>} : memref<1024x8x128xi32, #tpu.memory_space<vmem>>, vector<1024x1x128xi32>,
    %slice3A_15 = vector.extract_strided_slice %bitcast_convert_type3A {offsets = [0, 256], sizes = [1024, 128], strides = [1, 1]} : vector<1024x2048xi32> to vector<1024x128xi32>
    %shift_right_logical3A_16 = arith.constant 16 : i32
    %shift_right_logical3A_17 = vector.broadcast %shift_right_logical3A_16 : i32 to vector<1024x128xi32>
    %shift_right_logical3A_18 = arith.shrui %slice3A_15, %shift_right_logical3A_17 : vector<1024x128xi32>
    %slice3A_19 = vector.extract_strided_slice %bitcast_convert_type3A {offsets = [0, 384], sizes = [1024, 128], strides = [1, 1]} : vector<1024x2048xi32> to vector<1024x128xi32>
    %and3A_20 = arith.constant -65536 : i32
    %and3A_21 = vector.broadcast %and3A_20 : i32 to vector<1024x128xi32>
    %and3A_22 = arith.andi %slice3A_19, %and3A_21 : vector<1024x128xi32>
    %or3A_23 = arith.ori %and3A_22, %shift_right_logical3A_18 : vector<1024x128xi32>
    %bitcast_convert_type3A_24 = tpu.bitcast %or3A_23 : vector<1024x128xi32> -> vector<1024x128xi32>
    %swap3A_25 = arith.constant 0 : index
    %swap3A_26 = arith.constant 1 : index
    %swap3A_27 = arith.constant 0 : index
    %swap3A_28 = vector.load %arg3[%swap3A_25, %swap3A_26, %swap3A_27] : memref<1024x8x128xi32, #tpu.memory_space<vmem>>, vector<1024x1x128xi32>
    %swap3A_29 = vector.shape_cast %swap3A_28 : vector<1024x1x128xi32> to vector<1024x128xi32>
    %swap3A_30 = vector.shape_cast %bitcast_convert_type3A_24 : vector<1024x128xi32> to vector<1024x1x128xi32>
    tpu.vector_store %arg3[%swap3A_25, %swap3A_26, %swap3A_27], %swap3A_30 {strides = array<i32>} : memref<1024x8x128xi32, #tpu.memory_space<vmem>>, vector<1024x1x128xi32>,
    %slice3A_31 = vector.extract_strided_slice %bitcast_convert_type3A {offsets = [0, 512], sizes = [1024, 128], strides = [1, 1]} : vector<1024x2048xi32> to vector<1024x128xi32>
    %shift_right_logical3A_32 = arith.constant 16 : i32
    %shift_right_logical3A_33 = vector.broadcast %shift_right_logical3A_32 : i32 to vector<1024x128xi32>
    %shift_right_logical3A_34 = arith.shrui %slice3A_31, %shift_right_logical3A_33 : vector<1024x128xi32>
    %slice3A_35 = vector.extract_strided_slice %bitcast_convert_type3A {offsets = [0, 640], sizes = [1024, 128], strides = [1, 1]} : vector<1024x2048xi32> to vector<1024x128xi32>
    %and3A_36 = arith.constant -65536 : i32
    %and3A_37 = vector.broadcast %and3A_36 : i32 to vector<1024x128xi32>
    %and3A_38 = arith.andi %slice3A_35, %and3A_37 : vector<1024x128xi32>
    %or3A_39 = arith.ori %and3A_38, %shift_right_logical3A_34 : vector<1024x128xi32>
    %bitcast_convert_type3A_40 = tpu.bitcast %or3A_39 : vector<1024x128xi32> -> vector<1024x128xi32>
    %swap3A_41 = arith.constant 0 : index
    %swap3A_42 = arith.constant 2 : index
    %swap3A_43 = arith.constant 0 : index
    %swap3A_44 = vector.load %arg3[%swap3A_41, %swap3A_42, %swap3A_43] : memref<1024x8x128xi32, #tpu.memory_space<vmem>>, vector<1024x1x128xi32>
    %swap3A_45 = vector.shape_cast %swap3A_44 : vector<1024x1x128xi32> to vector<1024x128xi32>
    %swap3A_46 = vector.shape_cast %bitcast_convert_type3A_40 : vector<1024x128xi32> to vector<1024x1x128xi32>
    tpu.vector_store %arg3[%swap3A_41, %swap3A_42, %swap3A_43], %swap3A_46 {strides = array<i32>} : memref<1024x8x128xi32, #tpu.memory_space<vmem>>, vector<1024x1x128xi32>,
    %slice3A_47 = vector.extract_strided_slice %bitcast_convert_type3A {offsets = [0, 768], sizes = [1024, 128], strides = [1, 1]} : vector<1024x2048xi32> to vector<1024x128xi32>
    %shift_right_logical3A_48 = arith.constant 16 : i32
    %shift_right_logical3A_49 = vector.broadcast %shift_right_logical3A_48 : i32 to vector<1024x128xi32>
    %shift_right_logical3A_50 = arith.shrui %slice3A_47, %shift_right_logical3A_49 : vector<1024x128xi32>
    %slice3A_51 = vector.extract_strided_slice %bitcast_convert_type3A {offsets = [0, 896], sizes = [1024, 128], strides = [1, 1]} : vector<1024x2048xi32> to vector<1024x128xi32>
    %and3A_52 = arith.constant -65536 : i32
    %and3A_53 = vector.broadcast %and3A_52 : i32 to vector<1024x128xi32>
    %and3A_54 = arith.andi %slice3A_51, %and3A_53 : vector<1024x128xi32>
    %or3A_55 = arith.ori %and3A_54, %shift_right_logical3A_50 : vector<1024x128xi32>
    %bitcast_convert_type3A_56 = tpu.bitcast %or3A_55 : vector<1024x128xi32> -> vector<1024x128xi32>
    %swap3A_57 = arith.constant 0 : index
    %swap3A_58 = arith.constant 3 : index
    %swap3A_59 = arith.constant 0 : index
    %swap3A_60 = vector.load %arg3[%swap3A_57, %swap3A_58, %swap3A_59] : memref<1024x8x128xi32, #tpu.memory_space<vmem>>, vector<1024x1x128xi32>
    %swap3A_61 = vector.shape_cast %swap3A_60 : vector<1024x1x128xi32> to vector<1024x128xi32>
    %swap3A_62 = vector.shape_cast %bitcast_convert_type3A_56 : vector<1024x128xi32> to vector<1024x1x128xi32>
    tpu.vector_store %arg3[%swap3A_57, %swap3A_58, %swap3A_59], %swap3A_62 {strides = array<i32>} : memref<1024x8x128xi32, #tpu.memory_space<vmem>>, vector<1024x1x128xi32>,
    %slice3A_63 = vector.extract_strided_slice %bitcast_convert_type3A {offsets = [0, 1024], sizes = [1024, 128], strides = [1, 1]} : vector<1024x2048xi32> to vector<1024x128xi32>
    %shift_right_logical3A_64 = arith.constant 16 : i32
    %shift_right_logical3A_65 = vector.broadcast %shift_right_logical3A_64 : i32 to vector<1024x128xi32>
    %shift_right_logical3A_66 = arith.shrui %slice3A_63, %shift_right_logical3A_65 : vector<1024x128xi32>
    %slice3A_67 = vector.extract_strided_slice %bitcast_convert_type3A {offsets = [0, 1152], sizes = [1024, 128], strides = [1, 1]} : vector<1024x2048xi32> to vector<1024x128xi32>
    %and3A_68 = arith.constant -65536 : i32
    %and3A_69 = vector.broadcast %and3A_68 : i32 to vector<1024x128xi32>
    %and3A_70 = arith.andi %slice3A_67, %and3A_69 : vector<1024x128xi32>
    %or3A_71 = arith.ori %and3A_70, %shift_right_logical3A_66 : vector<1024x128xi32>
    %bitcast_convert_type3A_72 = tpu.bitcast %or3A_71 : vector<1024x128xi32> -> vector<1024x128xi32>
    %swap3A_73 = arith.constant 0 : index
    %swap3A_74 = arith.constant 4 : index
    %swap3A_75 = arith.constant 0 : index
    %swap3A_76 = vector.load %arg3[%swap3A_73, %swap3A_74, %swap3A_75] : memref<1024x8x128xi32, #tpu.memory_space<vmem>>, vector<1024x1x128xi32>
    %swap3A_77 = vector.shape_cast %swap3A_76 : vector<1024x1x128xi32> to vector<1024x128xi32>
    %swap3A_78 = vector.shape_cast %bitcast_convert_type3A_72 : vector<1024x128xi32> to vector<1024x1x128xi32>
    tpu.vector_store %arg3[%swap3A_73, %swap3A_74, %swap3A_75], %swap3A_78 {strides = array<i32>} : memref<1024x8x128xi32, #tpu.memory_space<vmem>>, vector<1024x1x128xi32>,
    %slice3A_79 = vector.extract_strided_slice %bitcast_convert_type3A {offsets = [0, 1280], sizes = [1024, 128], strides = [1, 1]} : vector<1024x2048xi32> to vector<1024x128xi32>
    %shift_right_logical3A_80 = arith.constant 16 : i32
    %shift_right_logical3A_81 = vector.broadcast %shift_right_logical3A_80 : i32 to vector<1024x128xi32>
    %shift_right_logical3A_82 = arith.shrui %slice3A_79, %shift_right_logical3A_81 : vector<1024x128xi32>
    %slice3A_83 = vector.extract_strided_slice %bitcast_convert_type3A {offsets = [0, 1408], sizes = [1024, 128], strides = [1, 1]} : vector<1024x2048xi32> to vector<1024x128xi32>
    %and3A_84 = arith.constant -65536 : i32
    %and3A_85 = vector.broadcast %and3A_84 : i32 to vector<1024x128xi32>
    %and3A_86 = arith.andi %slice3A_83, %and3A_85 : vector<1024x128xi32>
    %or3A_87 = arith.ori %and3A_86, %shift_right_logical3A_82 : vector<1024x128xi32>
    %bitcast_convert_type3A_88 = tpu.bitcast %or3A_87 : vector<1024x128xi32> -> vector<1024x128xi32>
    %swap3A_89 = arith.constant 0 : index
    %swap3A_90 = arith.constant 5 : index
    %swap3A_91 = arith.constant 0 : index
    %swap3A_92 = vector.load %arg3[%swap3A_89, %swap3A_90, %swap3A_91] : memref<1024x8x128xi32, #tpu.memory_space<vmem>>, vector<1024x1x128xi32>
    %swap3A_93 = vector.shape_cast %swap3A_92 : vector<1024x1x128xi32> to vector<1024x128xi32>
    %swap3A_94 = vector.shape_cast %bitcast_convert_type3A_88 : vector<1024x128xi32> to vector<1024x1x128xi32>
    tpu.vector_store %arg3[%swap3A_89, %swap3A_90, %swap3A_91], %swap3A_94 {strides = array<i32>} : memref<1024x8x128xi32, #tpu.memory_space<vmem>>, vector<1024x1x128xi32>,
    %slice3A_95 = vector.extract_strided_slice %bitcast_convert_type3A {offsets = [0, 1536], sizes = [1024, 128], strides = [1, 1]} : vector<1024x2048xi32> to vector<1024x128xi32>
    %shift_right_logical3A_96 = arith.constant 16 : i32
    %shift_right_logical3A_97 = vector.broadcast %shift_right_logical3A_96 : i32 to vector<1024x128xi32>
    %shift_right_logical3A_98 = arith.shrui %slice3A_95, %shift_right_logical3A_97 : vector<1024x128xi32>
    %slice3A_99 = vector.extract_strided_slice %bitcast_convert_type3A {offsets = [0, 1664], sizes = [1024, 128], strides = [1, 1]} : vector<1024x2048xi32> to vector<1024x128xi32>
    %and3A_100 = arith.constant -65536 : i32
    %and3A_101 = vector.broadcast %and3A_100 : i32 to vector<1024x128xi32>
    %and3A_102 = arith.andi %slice3A_99, %and3A_101 : vector<1024x128xi32>
    %or3A_103 = arith.ori %and3A_102, %shift_right_logical3A_98 : vector<1024x128xi32>
    %bitcast_convert_type3A_104 = tpu.bitcast %or3A_103 : vector<1024x128xi32> -> vector<1024x128xi32>
    %swap3A_105 = arith.constant 0 : index
    %swap3A_106 = arith.constant 6 : index
    %swap3A_107 = arith.constant 0 : index
    %swap3A_108 = vector.load %arg3[%swap3A_105, %swap3A_106, %swap3A_107] : memref<1024x8x128xi32, #tpu.memory_space<vmem>>, vector<1024x1x128xi32>
    %swap3A_109 = vector.shape_cast %swap3A_108 : vector<1024x1x128xi32> to vector<1024x128xi32>
    %swap3A_110 = vector.shape_cast %bitcast_convert_type3A_104 : vector<1024x128xi32> to vector<1024x1x128xi32>
    tpu.vector_store %arg3[%swap3A_105, %swap3A_106, %swap3A_107], %swap3A_110 {strides = array<i32>} : memref<1024x8x128xi32, #tpu.memory_space<vmem>>, vector<1024x1x128xi32>,
    %slice3A_111 = vector.extract_strided_slice %bitcast_convert_type3A {offsets = [0, 1792], sizes = [1024, 128], strides = [1, 1]} : vector<1024x2048xi32> to vector<1024x128xi32>
    %shift_right_logical3A_112 = arith.constant 16 : i32
    %shift_right_logical3A_113 = vector.broadcast %shift_right_logical3A_112 : i32 to vector<1024x128xi32>
    %shift_right_logical3A_114 = arith.shrui %slice3A_111, %shift_right_logical3A_113 : vector<1024x128xi32>
    %slice3A_115 = vector.extract_strided_slice %bitcast_convert_type3A {offsets = [0, 1920], sizes = [1024, 128], strides = [1, 1]} : vector<1024x2048xi32> to vector<1024x128xi32>
    %and3A_116 = arith.constant -65536 : i32
    %and3A_117 = vector.broadcast %and3A_116 : i32 to vector<1024x128xi32>
    %and3A_118 = arith.andi %slice3A_115, %and3A_117 : vector<1024x128xi32>
    %or3A_119 = arith.ori %and3A_118, %shift_right_logical3A_114 : vector<1024x128xi32>
    %bitcast_convert_type3A_120 = tpu.bitcast %or3A_119 : vector<1024x128xi32> -> vector<1024x128xi32>
    %swap3A_121 = arith.constant 0 : index
    %swap3A_122 = arith.constant 7 : index
    %swap3A_123 = arith.constant 0 : index
    %swap3A_124 = vector.load %arg3[%swap3A_121, %swap3A_122, %swap3A_123] : memref<1024x8x128xi32, #tpu.memory_space<vmem>>, vector<1024x1x128xi32>
    %swap3A_125 = vector.shape_cast %swap3A_124 : vector<1024x1x128xi32> to vector<1024x128xi32>
    %swap3A_126 = vector.shape_cast %bitcast_convert_type3A_120 : vector<1024x128xi32> to vector<1024x1x128xi32>
    tpu.vector_store %arg3[%swap3A_121, %swap3A_122, %swap3A_123], %swap3A_126 {strides = array<i32>} : memref<1024x8x128xi32, #tpu.memory_space<vmem>>, vector<1024x1x128xi32>,
    %abs3A = math.absf %get3A_3 : vector<1024x2048xf32>
    %mul3A = arith.constant -1.44269502 : f32
    %mul3A_127 = vector.broadcast %mul3A : f32 to vector<1024x2048xf32>
    %mul3A_128 = arith.mulf %abs3A, %mul3A_127 : vector<1024x2048xf32>
    %exp23A = math.exp2 %mul3A_128 : vector<1024x2048xf32>
    %max3A = arith.constant 0.000000e+00 : f32
    %max3A_129 = vector.broadcast %max3A : f32 to vector<1024x2048xf32>
    %max3A_130 = arith.maximumf %get3A_3, %max3A_129 : vector<1024x2048xf32>
    %add3A = arith.constant 1.000000e+00 : f32
    %add3A_131 = vector.broadcast %add3A : f32 to vector<1024x2048xf32>
    %add3A_132 = arith.addf %add3A_131, %exp23A : vector<1024x2048xf32>
    %log3A = math.log %add3A_132 : vector<1024x2048xf32>
    %log3A_133 = arith.constant 2.000000e+00 : f32
    %log3A_134 = math.log %log3A_133 : f32
    %div3A = vector.broadcast %log3A_134 : f32 to vector<1024x2048xf32>
    %div3A_135 = arith.divf %log3A, %div3A : vector<1024x2048xf32>
    %mul3A_136 = arith.constant 0.693147182 : f32
    %mul3A_137 = vector.broadcast %mul3A_136 : f32 to vector<1024x2048xf32>
    %mul3A_138 = arith.mulf %div3A_135, %mul3A_137 : vector<1024x2048xf32>
    %add3A_139 = arith.addf %max3A_130, %mul3A_138 : vector<1024x2048xf32>
    %lt3A = arith.constant 48 : i32
    %lt3A_140 = arith.cmpi slt, %arg0, %lt3A : i32
    %convert_element_type3A_141 = arith.extui %lt3A_140 : i1 to i32
    %cond3A_142 = arith.constant 0 : i32
    %cond3A_143 = arith.cmpi ne, %convert_element_type3A_141, %cond3A_142 : i32
    scf.if %cond3A_143 {
      %get3A_149 = arith.constant 0 : index
      %get3A_150 = arith.constant 0 : index
      %get3A_151 = vector.load %arg2[%get3A_149, %get3A_150] : memref<1024x128xf32, #tpu.memory_space<vmem>>, vector<1024x128xf32>
      %slice3A_152 = vector.extract_strided_slice %add3A_139 {offsets = [0, 0], sizes = [1024, 128], strides = [1, 1]} : vector<1024x2048xf32> to vector<1024x128xf32>
      %add3A_153 = arith.addf %get3A_151, %slice3A_152 : vector<1024x128xf32>
      %slice3A_154 = vector.extract_strided_slice %add3A_139 {offsets = [0, 128], sizes = [1024, 128], strides = [1, 1]} : vector<1024x2048xf32> to vector<1024x128xf32>
      %add3A_155 = arith.addf %add3A_153, %slice3A_154 : vector<1024x128xf32>
      %slice3A_156 = vector.extract_strided_slice %add3A_139 {offsets = [0, 256], sizes = [1024, 128], strides = [1, 1]} : vector<1024x2048xf32> to vector<1024x128xf32>
      %add3A_157 = arith.addf %add3A_155, %slice3A_156 : vector<1024x128xf32>
      %slice3A_158 = vector.extract_strided_slice %add3A_139 {offsets = [0, 384], sizes = [1024, 128], strides = [1, 1]} : vector<1024x2048xf32> to vector<1024x128xf32>
      %add3A_159 = arith.addf %add3A_157, %slice3A_158 : vector<1024x128xf32>
      %slice3A_160 = vector.extract_strided_slice %add3A_139 {offsets = [0, 512], sizes = [1024, 128], strides = [1, 1]} : vector<1024x2048xf32> to vector<1024x128xf32>
      %add3A_161 = arith.addf %add3A_159, %slice3A_160 : vector<1024x128xf32>
      %slice3A_162 = vector.extract_strided_slice %add3A_139 {offsets = [0, 640], sizes = [1024, 128], strides = [1, 1]} : vector<1024x2048xf32> to vector<1024x128xf32>
      %add3A_163 = arith.addf %add3A_161, %slice3A_162 : vector<1024x128xf32>
      %slice3A_164 = vector.extract_strided_slice %add3A_139 {offsets = [0, 768], sizes = [1024, 128], strides = [1, 1]} : vector<1024x2048xf32> to vector<1024x128xf32>
      %add3A_165 = arith.addf %add3A_163, %slice3A_164 : vector<1024x128xf32>
      %slice3A_166 = vector.extract_strided_slice %add3A_139 {offsets = [0, 896], sizes = [1024, 128], strides = [1, 1]} : vector<1024x2048xf32> to vector<1024x128xf32>
      %add3A_167 = arith.addf %add3A_165, %slice3A_166 : vector<1024x128xf32>
      %slice3A_168 = vector.extract_strided_slice %add3A_139 {offsets = [0, 1024], sizes = [1024, 128], strides = [1, 1]} : vector<1024x2048xf32> to vector<1024x128xf32>
      %add3A_169 = arith.addf %add3A_167, %slice3A_168 : vector<1024x128xf32>
      %slice3A_170 = vector.extract_strided_slice %add3A_139 {offsets = [0, 1152], sizes = [1024, 128], strides = [1, 1]} : vector<1024x2048xf32> to vector<1024x128xf32>
      %add3A_171 = arith.addf %add3A_169, %slice3A_170 : vector<1024x128xf32>
      %slice3A_172 = vector.extract_strided_slice %add3A_139 {offsets = [0, 1280], sizes = [1024, 128], strides = [1, 1]} : vector<1024x2048xf32> to vector<1024x128xf32>
      %add3A_173 = arith.addf %add3A_171, %slice3A_172 : vector<1024x128xf32>
      %slice3A_174 = vector.extract_strided_slice %add3A_139 {offsets = [0, 1408], sizes = [1024, 128], strides = [1, 1]} : vector<1024x2048xf32> to vector<1024x128xf32>
      %add3A_175 = arith.addf %add3A_173, %slice3A_174 : vector<1024x128xf32>
      %slice3A_176 = vector.extract_strided_slice %add3A_139 {offsets = [0, 1536], sizes = [1024, 128], strides = [1, 1]} : vector<1024x2048xf32> to vector<1024x128xf32>
      %add3A_177 = arith.addf %add3A_175, %slice3A_176 : vector<1024x128xf32>
      %slice3A_178 = vector.extract_strided_slice %add3A_139 {offsets = [0, 1664], sizes = [1024, 128], strides = [1, 1]} : vector<1024x2048xf32> to vector<1024x128xf32>
      %add3A_179 = arith.addf %add3A_177, %slice3A_178 : vector<1024x128xf32>
      %slice3A_180 = vector.extract_strided_slice %add3A_139 {offsets = [0, 1792], sizes = [1024, 128], strides = [1, 1]} : vector<1024x2048xf32> to vector<1024x128xf32>
      %add3A_181 = arith.addf %add3A_179, %slice3A_180 : vector<1024x128xf32>
      %slice3A_182 = vector.extract_strided_slice %add3A_139 {offsets = [0, 1920], sizes = [1024, 128], strides = [1, 1]} : vector<1024x2048xf32> to vector<1024x128xf32>
      %add3A_183 = arith.addf %add3A_181, %slice3A_182 : vector<1024x128xf32>
      %swap3A_184 = arith.constant 0 : index
      %swap3A_185 = arith.constant 0 : index
      %swap3A_186 = vector.load %arg2[%swap3A_184, %swap3A_185] : memref<1024x128xf32, #tpu.memory_space<vmem>>, vector<1024x128xf32>
      tpu.vector_store %arg2[%swap3A_184, %swap3A_185], %add3A_183 {strides = array<i32>} : memref<1024x128xf32, #tpu.memory_space<vmem>>, vector<1024x128xf32>,
    } else {
    }
    %eq3A_144 = arith.constant 48 : i32
    %eq3A_145 = arith.cmpi eq, %arg0, %eq3A_144 : i32
    %convert_element_type3A_146 = arith.extui %eq3A_145 : i1 to i32
    %cond3A_147 = arith.constant 0 : i32
    %cond3A_148 = arith.cmpi ne, %convert_element_type3A_146, %cond3A_147 : i32
    scf.if %cond3A_148 {
      %iota3A = tpu.iota {dimensions = array<i32: 1>} : vector<1024x2048xi32>
      %lt3A_149 = arith.constant 1696 : i32
      %lt3A_150 = vector.broadcast %lt3A_149 : i32 to vector<1024x2048xi32>
      %lt3A_151 = arith.cmpi slt, %iota3A, %lt3A_150 : vector<1024x2048xi32>
      %jit3A = arith.constant 0.000000e+00 : f32
      %broadcast_in_dim3A = vector.broadcast %jit3A : f32 to vector<1024x2048xf32>
      %select_n3A = arith.select %lt3A_151, %add3A_139, %broadcast_in_dim3A : vector<1024x2048xi1>, vector<1024x2048xf32>
      %get3A_152 = arith.constant 0 : index
      %get3A_153 = arith.constant 0 : index
      %get3A_154 = vector.load %arg2[%get3A_152, %get3A_153] : memref<1024x128xf32, #tpu.memory_space<vmem>>, vector<1024x128xf32>
      %slice3A_155 = vector.extract_strided_slice %select_n3A {offsets = [0, 0], sizes = [1024, 128], strides = [1, 1]} : vector<1024x2048xf32> to vector<1024x128xf32>
      %add3A_156 = arith.addf %get3A_154, %slice3A_155 : vector<1024x128xf32>
      %slice3A_157 = vector.extract_strided_slice %select_n3A {offsets = [0, 128], sizes = [1024, 128], strides = [1, 1]} : vector<1024x2048xf32> to vector<1024x128xf32>
      %add3A_158 = arith.addf %add3A_156, %slice3A_157 : vector<1024x128xf32>
      %slice3A_159 = vector.extract_strided_slice %select_n3A {offsets = [0, 256], sizes = [1024, 128], strides = [1, 1]} : vector<1024x2048xf32> to vector<1024x128xf32>
      %add3A_160 = arith.addf %add3A_158, %slice3A_159 : vector<1024x128xf32>
      %slice3A_161 = vector.extract_strided_slice %select_n3A {offsets = [0, 384], sizes = [1024, 128], strides = [1, 1]} : vector<1024x2048xf32> to vector<1024x128xf32>
      %add3A_162 = arith.addf %add3A_160, %slice3A_161 : vector<1024x128xf32>
      %slice3A_163 = vector.extract_strided_slice %select_n3A {offsets = [0, 512], sizes = [1024, 128], strides = [1, 1]} : vector<1024x2048xf32> to vector<1024x128xf32>
      %add3A_164 = arith.addf %add3A_162, %slice3A_163 : vector<1024x128xf32>
      %slice3A_165 = vector.extract_strided_slice %select_n3A {offsets = [0, 640], sizes = [1024, 128], strides = [1, 1]} : vector<1024x2048xf32> to vector<1024x128xf32>
      %add3A_166 = arith.addf %add3A_164, %slice3A_165 : vector<1024x128xf32>
      %slice3A_167 = vector.extract_strided_slice %select_n3A {offsets = [0, 768], sizes = [1024, 128], strides = [1, 1]} : vector<1024x2048xf32> to vector<1024x128xf32>
      %add3A_168 = arith.addf %add3A_166, %slice3A_167 : vector<1024x128xf32>
      %slice3A_169 = vector.extract_strided_slice %select_n3A {offsets = [0, 896], sizes = [1024, 128], strides = [1, 1]} : vector<1024x2048xf32> to vector<1024x128xf32>
      %add3A_170 = arith.addf %add3A_168, %slice3A_169 : vector<1024x128xf32>
      %slice3A_171 = vector.extract_strided_slice %select_n3A {offsets = [0, 1024], sizes = [1024, 128], strides = [1, 1]} : vector<1024x2048xf32> to vector<1024x128xf32>
      %add3A_172 = arith.addf %add3A_170, %slice3A_171 : vector<1024x128xf32>
      %slice3A_173 = vector.extract_strided_slice %select_n3A {offsets = [0, 1152], sizes = [1024, 128], strides = [1, 1]} : vector<1024x2048xf32> to vector<1024x128xf32>
      %add3A_174 = arith.addf %add3A_172, %slice3A_173 : vector<1024x128xf32>
      %slice3A_175 = vector.extract_strided_slice %select_n3A {offsets = [0, 1280], sizes = [1024, 128], strides = [1, 1]} : vector<1024x2048xf32> to vector<1024x128xf32>
      %add3A_176 = arith.addf %add3A_174, %slice3A_175 : vector<1024x128xf32>
      %slice3A_177 = vector.extract_strided_slice %select_n3A {offsets = [0, 1408], sizes = [1024, 128], strides = [1, 1]} : vector<1024x2048xf32> to vector<1024x128xf32>
      %add3A_178 = arith.addf %add3A_176, %slice3A_177 : vector<1024x128xf32>
      %slice3A_179 = vector.extract_strided_slice %select_n3A {offsets = [0, 1536], sizes = [1024, 128], strides = [1, 1]} : vector<1024x2048xf32> to vector<1024x128xf32>
      %add3A_180 = arith.addf %add3A_178, %slice3A_179 : vector<1024x128xf32>
      %slice3A_181 = vector.extract_strided_slice %select_n3A {offsets = [0, 1664], sizes = [1024, 128], strides = [1, 1]} : vector<1024x2048xf32> to vector<1024x128xf32>
      %add3A_182 = arith.addf %add3A_180, %slice3A_181 : vector<1024x128xf32>
      %slice3A_183 = vector.extract_strided_slice %select_n3A {offsets = [0, 1792], sizes = [1024, 128], strides = [1, 1]} : vector<1024x2048xf32> to vector<1024x128xf32>
      %add3A_184 = arith.addf %add3A_182, %slice3A_183 : vector<1024x128xf32>
      %slice3A_185 = vector.extract_strided_slice %select_n3A {offsets = [0, 1920], sizes = [1024, 128], strides = [1, 1]} : vector<1024x2048xf32> to vector<1024x128xf32>
      %add3A_186 = arith.addf %add3A_184, %slice3A_185 : vector<1024x128xf32>
      %swap3A_187 = arith.constant 0 : index
      %swap3A_188 = arith.constant 0 : index
      %swap3A_189 = vector.load %arg2[%swap3A_187, %swap3A_188] : memref<1024x128xf32, #tpu.memory_space<vmem>>, vector<1024x128xf32>
      tpu.vector_store %arg2[%swap3A_187, %swap3A_188], %add3A_186 {strides = array<i32>} : memref<1024x128xf32, #tpu.memory_space<vmem>>, vector<1024x128xf32>,
    } else {
    }
    return
  }
  func.func @transform_0(%arg0: i32) -> (i32, i32) {
    %c0_i32 = arith.constant 0 : i32
    %c0_i32_0 = arith.constant 0 : i32
    return %c0_i32, %arg0 : i32, i32
  }
  func.func @transform_1(%arg0: i32) -> (i32, i32) {
    %c0_i32 = arith.constant 0 : i32
    %c0_i32_0 = arith.constant 0 : i32
    %c0_i32_1 = arith.constant 0 : i32
    return %c0_i32, %c0_i32_0 : i32, i32
  }
  func.func @transform_2(%arg0: i32) -> (i32, i32, i32) {
    %c0_i32 = arith.constant 0 : i32
    %c0_i32_0 = arith.constant 0 : i32
    %c0_i32_1 = arith.constant 0 : i32
    return %c0_i32, %arg0, %c0_i32_0 : i32, i32, i32
  }
}

module attributes {stable_mosaic.version = 14 : i64} {
  func.func @body(%arg0: memref<1024x128xf32, #tpu.memory_space<vmem>>, %arg1: memref<1024x640xi32, #tpu.memory_space<vmem>>, %arg2: memref<1024x5xi32, #tpu.memory_space<vmem>>, %arg3: memref<1x1xf32, #tpu.memory_space<smem>>) attributes {dimension_semantics = [], scalar_prefetch = 0 : i64, scratch_operands = 0 : i64, tpu.core_type = #tpu.core_type<tc>} {
    %get3A = arith.constant 0 : index
    %get3A_0 = arith.constant 0 : index
    %get3A_1 = vector.load %arg0[%get3A, %get3A_0] : memref<1024x128xf32, #tpu.memory_space<vmem>>, vector<1024x128xf32>
    %reduce_sum3A = arith.constant dense<0.000000e+00> : vector<1024xf32>
    %reduce_sum3A_2 = vector.multi_reduction <add>, %get3A_1, %reduce_sum3A [1] : vector<1024x128xf32> to vector<1024xf32>
    %broadcast_in_dim3A = vector.shape_cast %reduce_sum3A_2 : vector<1024xf32> to vector<1024x1xf32>
    %get3A_3 = arith.constant 0 : index
    %get3A_4 = arith.constant 0 : index
    %get3A_5 = vector.load %arg2[%get3A_3, %get3A_4] : memref<1024x5xi32, #tpu.memory_space<vmem>>, vector<1024x5xi32>
    %get3A_6 = arith.constant 0 : index
    %get3A_7 = arith.constant 0 : index
    %get3A_8 = vector.load %arg1[%get3A_6, %get3A_7] : memref<1024x640xi32, #tpu.memory_space<vmem>>, vector<1024x640xi32>
    %iota3A = tpu.iota {dimensions = array<i32: 1>} : vector<1024x128xi32>
    %slice3A = vector.extract_strided_slice %get3A_5 {offsets = [0, 0], sizes = [1024, 1], strides = [1, 1]} : vector<1024x5xi32> to vector<1024x1xi32>
    %jit3A = arith.constant 128 : i32
    %eq3A = arith.constant 0 : i32
    %eq3A_9 = arith.cmpi eq, %jit3A, %eq3A : i32
    %jit3A_10 = arith.constant 1 : i32
    %select_n3A = arith.select %eq3A_9, %jit3A_10, %jit3A : i32
    %rem3A = vector.broadcast %select_n3A : i32 to vector<1024x1xi32>
    %rem3A_11 = arith.remsi %slice3A, %rem3A : vector<1024x1xi32>
    %ne3A = arith.constant 0 : i32
    %ne3A_12 = vector.broadcast %ne3A : i32 to vector<1024x1xi32>
    %ne3A_13 = arith.cmpi ne, %rem3A_11, %ne3A_12 : vector<1024x1xi32>
    %lt3A = arith.constant 0 : i32
    %lt3A_14 = vector.broadcast %lt3A : i32 to vector<1024x1xi32>
    %lt3A_15 = arith.cmpi slt, %rem3A_11, %lt3A_14 : vector<1024x1xi32>
    %lt3A_16 = arith.constant 0 : i32
    %lt3A_17 = arith.cmpi slt, %select_n3A, %lt3A_16 : i32
    %ne3A_18 = vector.broadcast %lt3A_17 : i1 to vector<1024x1xi1>
    %ne3A_19 = vector.broadcast %ne3A_18 : vector<1024x1xi1> to vector<1024x1xi1>
    %ne3A_20 = arith.xori %lt3A_15, %ne3A_19 : vector<1024x1xi1>
    %and3A = arith.andi %ne3A_20, %ne3A_13 : vector<1024x1xi1>
    %add3A = vector.broadcast %select_n3A : i32 to vector<1024x1xi32>
    %add3A_21 = arith.addi %rem3A_11, %add3A : vector<1024x1xi32>
    %select_n3A_22 = arith.select %and3A, %add3A_21, %rem3A_11 : vector<1024x1xi1>, vector<1024x1xi32>
    %eq3A_23 = vector.broadcast %select_n3A_22 : vector<1024x1xi32> to vector<1024x128xi32>
    %eq3A_24 = arith.cmpi eq, %iota3A, %eq3A_23 : vector<1024x128xi32>
    %slice3A_25 = vector.extract_strided_slice %get3A_8 {offsets = [0, 0], sizes = [1024, 128], strides = [1, 1]} : vector<1024x640xi32> to vector<1024x128xi32>
    %jit3A_26 = arith.constant 0 : i32
    %broadcast_in_dim3A_27 = vector.broadcast %jit3A_26 : i32 to vector<1024x128xi32>
    %select_n3A_28 = arith.select %eq3A_24, %slice3A_25, %broadcast_in_dim3A_27 : vector<1024x128xi1>, vector<1024x128xi32>
    %reduce_sum3A_29 = arith.constant dense<0> : vector<1024xi32>
    %reduce_sum3A_30 = vector.multi_reduction <add>, %select_n3A_28, %reduce_sum3A_29 [1] : vector<1024x128xi32> to vector<1024xi32>
    %broadcast_in_dim3A_31 = vector.shape_cast %reduce_sum3A_30 : vector<1024xi32> to vector<1024x1xi32>
    %jit3A_32 = arith.constant 128 : i32
    %div3A = vector.broadcast %jit3A_32 : i32 to vector<1024x1xi32>
    %div3A_33 = arith.divsi %slice3A, %div3A : vector<1024x1xi32>
    %sign3A = arith.constant 0 : i32
    %sign3A_34 = vector.broadcast %sign3A : i32 to vector<1024x1xi32>
    %sign3A_35 = arith.cmpi sgt, %slice3A, %sign3A_34 : vector<1024x1xi32>
    %sign3A_36 = arith.extui %sign3A_35 : vector<1024x1xi1> to vector<1024x1xi32>
    %sign3A_37 = arith.constant 0 : i32
    %sign3A_38 = vector.broadcast %sign3A_37 : i32 to vector<1024x1xi32>
    %sign3A_39 = arith.cmpi slt, %slice3A, %sign3A_38 : vector<1024x1xi32>
    %sign3A_40 = arith.extui %sign3A_39 : vector<1024x1xi1> to vector<1024x1xi32>
    %sign3A_41 = arith.subi %sign3A_36, %sign3A_40 : vector<1024x1xi32>
    %sign3A_42 = arith.constant 0 : i32
    %sign3A_43 = arith.cmpi sgt, %jit3A_32, %sign3A_42 : i32
    %sign3A_44 = arith.extui %sign3A_43 : i1 to i32
    %sign3A_45 = arith.constant 0 : i32
    %sign3A_46 = arith.cmpi slt, %jit3A_32, %sign3A_45 : i32
    %sign3A_47 = arith.extui %sign3A_46 : i1 to i32
    %sign3A_48 = arith.subi %sign3A_44, %sign3A_47 : i32
    %ne3A_49 = vector.broadcast %sign3A_48 : i32 to vector<1024x1xi32>
    %ne3A_50 = arith.cmpi ne, %sign3A_41, %ne3A_49 : vector<1024x1xi32>
    %rem3A_51 = vector.broadcast %jit3A_32 : i32 to vector<1024x1xi32>
    %rem3A_52 = arith.remsi %slice3A, %rem3A_51 : vector<1024x1xi32>
    %ne3A_53 = arith.constant 0 : i32
    %ne3A_54 = vector.broadcast %ne3A_53 : i32 to vector<1024x1xi32>
    %ne3A_55 = arith.cmpi ne, %rem3A_52, %ne3A_54 : vector<1024x1xi32>
    %and3A_56 = arith.andi %ne3A_50, %ne3A_55 : vector<1024x1xi1>
    %sub3A = arith.constant 1 : i32
    %sub3A_57 = vector.broadcast %sub3A : i32 to vector<1024x1xi32>
    %sub3A_58 = arith.subi %div3A_33, %sub3A_57 : vector<1024x1xi32>
    %select_n3A_59 = arith.select %and3A_56, %sub3A_58, %div3A_33 : vector<1024x1xi1>, vector<1024x1xi32>
    %jit3A_60 = arith.constant 2 : i32
    %eq3A_61 = arith.constant 0 : i32
    %eq3A_62 = arith.cmpi eq, %jit3A_60, %eq3A_61 : i32
    %jit3A_63 = arith.constant 1 : i32
    %select_n3A_64 = arith.select %eq3A_62, %jit3A_63, %jit3A_60 : i32
    %rem3A_65 = vector.broadcast %select_n3A_64 : i32 to vector<1024x1xi32>
    %rem3A_66 = arith.remsi %select_n3A_59, %rem3A_65 : vector<1024x1xi32>
    %ne3A_67 = arith.constant 0 : i32
    %ne3A_68 = vector.broadcast %ne3A_67 : i32 to vector<1024x1xi32>
    %ne3A_69 = arith.cmpi ne, %rem3A_66, %ne3A_68 : vector<1024x1xi32>
    %lt3A_70 = arith.constant 0 : i32
    %lt3A_71 = vector.broadcast %lt3A_70 : i32 to vector<1024x1xi32>
    %lt3A_72 = arith.cmpi slt, %rem3A_66, %lt3A_71 : vector<1024x1xi32>
    %lt3A_73 = arith.constant 0 : i32
    %lt3A_74 = arith.cmpi slt, %select_n3A_64, %lt3A_73 : i32
    %ne3A_75 = vector.broadcast %lt3A_74 : i1 to vector<1024x1xi1>
    %ne3A_76 = vector.broadcast %ne3A_75 : vector<1024x1xi1> to vector<1024x1xi1>
    %ne3A_77 = arith.xori %lt3A_72, %ne3A_76 : vector<1024x1xi1>
    %and3A_78 = arith.andi %ne3A_77, %ne3A_69 : vector<1024x1xi1>
    %add3A_79 = vector.broadcast %select_n3A_64 : i32 to vector<1024x1xi32>
    %add3A_80 = arith.addi %rem3A_66, %add3A_79 : vector<1024x1xi32>
    %select_n3A_81 = arith.select %and3A_78, %add3A_80, %rem3A_66 : vector<1024x1xi1>, vector<1024x1xi32>
    %eq3A_82 = arith.constant 1 : i32
    %eq3A_83 = vector.broadcast %eq3A_82 : i32 to vector<1024x1xi32>
    %eq3A_84 = arith.cmpi eq, %select_n3A_81, %eq3A_83 : vector<1024x1xi32>
    %and3A_85 = arith.constant -65536 : i32
    %and3A_86 = vector.broadcast %and3A_85 : i32 to vector<1024x1xi32>
    %and3A_87 = arith.andi %broadcast_in_dim3A_31, %and3A_86 : vector<1024x1xi32>
    %shift_left3A = arith.constant 16 : i32
    %shift_left3A_88 = vector.broadcast %shift_left3A : i32 to vector<1024x1xi32>
    %shift_left3A_89 = arith.shli %broadcast_in_dim3A_31, %shift_left3A_88 : vector<1024x1xi32>
    %select_n3A_90 = arith.select %eq3A_84, %and3A_87, %shift_left3A_89 : vector<1024x1xi1>, vector<1024x1xi32>
    %bitcast_convert_type3A = tpu.bitcast %select_n3A_90 : vector<1024x1xi32> -> vector<1024x1xf32>
    %slice3A_91 = vector.extract_strided_slice %get3A_5 {offsets = [0, 1], sizes = [1024, 1], strides = [1, 1]} : vector<1024x5xi32> to vector<1024x1xi32>
    %jit3A_92 = arith.constant 128 : i32
    %eq3A_93 = arith.constant 0 : i32
    %eq3A_94 = arith.cmpi eq, %jit3A_92, %eq3A_93 : i32
    %jit3A_95 = arith.constant 1 : i32
    %select_n3A_96 = arith.select %eq3A_94, %jit3A_95, %jit3A_92 : i32
    %rem3A_97 = vector.broadcast %select_n3A_96 : i32 to vector<1024x1xi32>
    %rem3A_98 = arith.remsi %slice3A_91, %rem3A_97 : vector<1024x1xi32>
    %ne3A_99 = arith.constant 0 : i32
    %ne3A_100 = vector.broadcast %ne3A_99 : i32 to vector<1024x1xi32>
    %ne3A_101 = arith.cmpi ne, %rem3A_98, %ne3A_100 : vector<1024x1xi32>
    %lt3A_102 = arith.constant 0 : i32
    %lt3A_103 = vector.broadcast %lt3A_102 : i32 to vector<1024x1xi32>
    %lt3A_104 = arith.cmpi slt, %rem3A_98, %lt3A_103 : vector<1024x1xi32>
    %lt3A_105 = arith.constant 0 : i32
    %lt3A_106 = arith.cmpi slt, %select_n3A_96, %lt3A_105 : i32
    %ne3A_107 = vector.broadcast %lt3A_106 : i1 to vector<1024x1xi1>
    %ne3A_108 = vector.broadcast %ne3A_107 : vector<1024x1xi1> to vector<1024x1xi1>
    %ne3A_109 = arith.xori %lt3A_104, %ne3A_108 : vector<1024x1xi1>
    %and3A_110 = arith.andi %ne3A_109, %ne3A_101 : vector<1024x1xi1>
    %add3A_111 = vector.broadcast %select_n3A_96 : i32 to vector<1024x1xi32>
    %add3A_112 = arith.addi %rem3A_98, %add3A_111 : vector<1024x1xi32>
    %select_n3A_113 = arith.select %and3A_110, %add3A_112, %rem3A_98 : vector<1024x1xi1>, vector<1024x1xi32>
    %eq3A_114 = vector.broadcast %select_n3A_113 : vector<1024x1xi32> to vector<1024x128xi32>
    %eq3A_115 = arith.cmpi eq, %iota3A, %eq3A_114 : vector<1024x128xi32>
    %slice3A_116 = vector.extract_strided_slice %get3A_8 {offsets = [0, 128], sizes = [1024, 128], strides = [1, 1]} : vector<1024x640xi32> to vector<1024x128xi32>
    %jit3A_117 = arith.constant 0 : i32
    %broadcast_in_dim3A_118 = vector.broadcast %jit3A_117 : i32 to vector<1024x128xi32>
    %select_n3A_119 = arith.select %eq3A_115, %slice3A_116, %broadcast_in_dim3A_118 : vector<1024x128xi1>, vector<1024x128xi32>
    %reduce_sum3A_120 = arith.constant dense<0> : vector<1024xi32>
    %reduce_sum3A_121 = vector.multi_reduction <add>, %select_n3A_119, %reduce_sum3A_120 [1] : vector<1024x128xi32> to vector<1024xi32>
    %broadcast_in_dim3A_122 = vector.shape_cast %reduce_sum3A_121 : vector<1024xi32> to vector<1024x1xi32>
    %jit3A_123 = arith.constant 128 : i32
    %div3A_124 = vector.broadcast %jit3A_123 : i32 to vector<1024x1xi32>
    %div3A_125 = arith.divsi %slice3A_91, %div3A_124 : vector<1024x1xi32>
    %sign3A_126 = arith.constant 0 : i32
    %sign3A_127 = vector.broadcast %sign3A_126 : i32 to vector<1024x1xi32>
    %sign3A_128 = arith.cmpi sgt, %slice3A_91, %sign3A_127 : vector<1024x1xi32>
    %sign3A_129 = arith.extui %sign3A_128 : vector<1024x1xi1> to vector<1024x1xi32>
    %sign3A_130 = arith.constant 0 : i32
    %sign3A_131 = vector.broadcast %sign3A_130 : i32 to vector<1024x1xi32>
    %sign3A_132 = arith.cmpi slt, %slice3A_91, %sign3A_131 : vector<1024x1xi32>
    %sign3A_133 = arith.extui %sign3A_132 : vector<1024x1xi1> to vector<1024x1xi32>
    %sign3A_134 = arith.subi %sign3A_129, %sign3A_133 : vector<1024x1xi32>
    %sign3A_135 = arith.constant 0 : i32
    %sign3A_136 = arith.cmpi sgt, %jit3A_123, %sign3A_135 : i32
    %sign3A_137 = arith.extui %sign3A_136 : i1 to i32
    %sign3A_138 = arith.constant 0 : i32
    %sign3A_139 = arith.cmpi slt, %jit3A_123, %sign3A_138 : i32
    %sign3A_140 = arith.extui %sign3A_139 : i1 to i32
    %sign3A_141 = arith.subi %sign3A_137, %sign3A_140 : i32
    %ne3A_142 = vector.broadcast %sign3A_141 : i32 to vector<1024x1xi32>
    %ne3A_143 = arith.cmpi ne, %sign3A_134, %ne3A_142 : vector<1024x1xi32>
    %rem3A_144 = vector.broadcast %jit3A_123 : i32 to vector<1024x1xi32>
    %rem3A_145 = arith.remsi %slice3A_91, %rem3A_144 : vector<1024x1xi32>
    %ne3A_146 = arith.constant 0 : i32
    %ne3A_147 = vector.broadcast %ne3A_146 : i32 to vector<1024x1xi32>
    %ne3A_148 = arith.cmpi ne, %rem3A_145, %ne3A_147 : vector<1024x1xi32>
    %and3A_149 = arith.andi %ne3A_143, %ne3A_148 : vector<1024x1xi1>
    %sub3A_150 = arith.constant 1 : i32
    %sub3A_151 = vector.broadcast %sub3A_150 : i32 to vector<1024x1xi32>
    %sub3A_152 = arith.subi %div3A_125, %sub3A_151 : vector<1024x1xi32>
    %select_n3A_153 = arith.select %and3A_149, %sub3A_152, %div3A_125 : vector<1024x1xi1>, vector<1024x1xi32>
    %jit3A_154 = arith.constant 2 : i32
    %eq3A_155 = arith.constant 0 : i32
    %eq3A_156 = arith.cmpi eq, %jit3A_154, %eq3A_155 : i32
    %jit3A_157 = arith.constant 1 : i32
    %select_n3A_158 = arith.select %eq3A_156, %jit3A_157, %jit3A_154 : i32
    %rem3A_159 = vector.broadcast %select_n3A_158 : i32 to vector<1024x1xi32>
    %rem3A_160 = arith.remsi %select_n3A_153, %rem3A_159 : vector<1024x1xi32>
    %ne3A_161 = arith.constant 0 : i32
    %ne3A_162 = vector.broadcast %ne3A_161 : i32 to vector<1024x1xi32>
    %ne3A_163 = arith.cmpi ne, %rem3A_160, %ne3A_162 : vector<1024x1xi32>
    %lt3A_164 = arith.constant 0 : i32
    %lt3A_165 = vector.broadcast %lt3A_164 : i32 to vector<1024x1xi32>
    %lt3A_166 = arith.cmpi slt, %rem3A_160, %lt3A_165 : vector<1024x1xi32>
    %lt3A_167 = arith.constant 0 : i32
    %lt3A_168 = arith.cmpi slt, %select_n3A_158, %lt3A_167 : i32
    %ne3A_169 = vector.broadcast %lt3A_168 : i1 to vector<1024x1xi1>
    %ne3A_170 = vector.broadcast %ne3A_169 : vector<1024x1xi1> to vector<1024x1xi1>
    %ne3A_171 = arith.xori %lt3A_166, %ne3A_170 : vector<1024x1xi1>
    %and3A_172 = arith.andi %ne3A_171, %ne3A_163 : vector<1024x1xi1>
    %add3A_173 = vector.broadcast %select_n3A_158 : i32 to vector<1024x1xi32>
    %add3A_174 = arith.addi %rem3A_160, %add3A_173 : vector<1024x1xi32>
    %select_n3A_175 = arith.select %and3A_172, %add3A_174, %rem3A_160 : vector<1024x1xi1>, vector<1024x1xi32>
    %eq3A_176 = arith.constant 1 : i32
    %eq3A_177 = vector.broadcast %eq3A_176 : i32 to vector<1024x1xi32>
    %eq3A_178 = arith.cmpi eq, %select_n3A_175, %eq3A_177 : vector<1024x1xi32>
    %and3A_179 = arith.constant -65536 : i32
    %and3A_180 = vector.broadcast %and3A_179 : i32 to vector<1024x1xi32>
    %and3A_181 = arith.andi %broadcast_in_dim3A_122, %and3A_180 : vector<1024x1xi32>
    %shift_left3A_182 = arith.constant 16 : i32
    %shift_left3A_183 = vector.broadcast %shift_left3A_182 : i32 to vector<1024x1xi32>
    %shift_left3A_184 = arith.shli %broadcast_in_dim3A_122, %shift_left3A_183 : vector<1024x1xi32>
    %select_n3A_185 = arith.select %eq3A_178, %and3A_181, %shift_left3A_184 : vector<1024x1xi1>, vector<1024x1xi32>
    %bitcast_convert_type3A_186 = tpu.bitcast %select_n3A_185 : vector<1024x1xi32> -> vector<1024x1xf32>
    %slice3A_187 = vector.extract_strided_slice %get3A_5 {offsets = [0, 2], sizes = [1024, 1], strides = [1, 1]} : vector<1024x5xi32> to vector<1024x1xi32>
    %jit3A_188 = arith.constant 128 : i32
    %eq3A_189 = arith.constant 0 : i32
    %eq3A_190 = arith.cmpi eq, %jit3A_188, %eq3A_189 : i32
    %jit3A_191 = arith.constant 1 : i32
    %select_n3A_192 = arith.select %eq3A_190, %jit3A_191, %jit3A_188 : i32
    %rem3A_193 = vector.broadcast %select_n3A_192 : i32 to vector<1024x1xi32>
    %rem3A_194 = arith.remsi %slice3A_187, %rem3A_193 : vector<1024x1xi32>
    %ne3A_195 = arith.constant 0 : i32
    %ne3A_196 = vector.broadcast %ne3A_195 : i32 to vector<1024x1xi32>
    %ne3A_197 = arith.cmpi ne, %rem3A_194, %ne3A_196 : vector<1024x1xi32>
    %lt3A_198 = arith.constant 0 : i32
    %lt3A_199 = vector.broadcast %lt3A_198 : i32 to vector<1024x1xi32>
    %lt3A_200 = arith.cmpi slt, %rem3A_194, %lt3A_199 : vector<1024x1xi32>
    %lt3A_201 = arith.constant 0 : i32
    %lt3A_202 = arith.cmpi slt, %select_n3A_192, %lt3A_201 : i32
    %ne3A_203 = vector.broadcast %lt3A_202 : i1 to vector<1024x1xi1>
    %ne3A_204 = vector.broadcast %ne3A_203 : vector<1024x1xi1> to vector<1024x1xi1>
    %ne3A_205 = arith.xori %lt3A_200, %ne3A_204 : vector<1024x1xi1>
    %and3A_206 = arith.andi %ne3A_205, %ne3A_197 : vector<1024x1xi1>
    %add3A_207 = vector.broadcast %select_n3A_192 : i32 to vector<1024x1xi32>
    %add3A_208 = arith.addi %rem3A_194, %add3A_207 : vector<1024x1xi32>
    %select_n3A_209 = arith.select %and3A_206, %add3A_208, %rem3A_194 : vector<1024x1xi1>, vector<1024x1xi32>
    %eq3A_210 = vector.broadcast %select_n3A_209 : vector<1024x1xi32> to vector<1024x128xi32>
    %eq3A_211 = arith.cmpi eq, %iota3A, %eq3A_210 : vector<1024x128xi32>
    %slice3A_212 = vector.extract_strided_slice %get3A_8 {offsets = [0, 256], sizes = [1024, 128], strides = [1, 1]} : vector<1024x640xi32> to vector<1024x128xi32>
    %jit3A_213 = arith.constant 0 : i32
    %broadcast_in_dim3A_214 = vector.broadcast %jit3A_213 : i32 to vector<1024x128xi32>
    %select_n3A_215 = arith.select %eq3A_211, %slice3A_212, %broadcast_in_dim3A_214 : vector<1024x128xi1>, vector<1024x128xi32>
    %reduce_sum3A_216 = arith.constant dense<0> : vector<1024xi32>
    %reduce_sum3A_217 = vector.multi_reduction <add>, %select_n3A_215, %reduce_sum3A_216 [1] : vector<1024x128xi32> to vector<1024xi32>
    %broadcast_in_dim3A_218 = vector.shape_cast %reduce_sum3A_217 : vector<1024xi32> to vector<1024x1xi32>
    %jit3A_219 = arith.constant 128 : i32
    %div3A_220 = vector.broadcast %jit3A_219 : i32 to vector<1024x1xi32>
    %div3A_221 = arith.divsi %slice3A_187, %div3A_220 : vector<1024x1xi32>
    %sign3A_222 = arith.constant 0 : i32
    %sign3A_223 = vector.broadcast %sign3A_222 : i32 to vector<1024x1xi32>
    %sign3A_224 = arith.cmpi sgt, %slice3A_187, %sign3A_223 : vector<1024x1xi32>
    %sign3A_225 = arith.extui %sign3A_224 : vector<1024x1xi1> to vector<1024x1xi32>
    %sign3A_226 = arith.constant 0 : i32
    %sign3A_227 = vector.broadcast %sign3A_226 : i32 to vector<1024x1xi32>
    %sign3A_228 = arith.cmpi slt, %slice3A_187, %sign3A_227 : vector<1024x1xi32>
    %sign3A_229 = arith.extui %sign3A_228 : vector<1024x1xi1> to vector<1024x1xi32>
    %sign3A_230 = arith.subi %sign3A_225, %sign3A_229 : vector<1024x1xi32>
    %sign3A_231 = arith.constant 0 : i32
    %sign3A_232 = arith.cmpi sgt, %jit3A_219, %sign3A_231 : i32
    %sign3A_233 = arith.extui %sign3A_232 : i1 to i32
    %sign3A_234 = arith.constant 0 : i32
    %sign3A_235 = arith.cmpi slt, %jit3A_219, %sign3A_234 : i32
    %sign3A_236 = arith.extui %sign3A_235 : i1 to i32
    %sign3A_237 = arith.subi %sign3A_233, %sign3A_236 : i32
    %ne3A_238 = vector.broadcast %sign3A_237 : i32 to vector<1024x1xi32>
    %ne3A_239 = arith.cmpi ne, %sign3A_230, %ne3A_238 : vector<1024x1xi32>
    %rem3A_240 = vector.broadcast %jit3A_219 : i32 to vector<1024x1xi32>
    %rem3A_241 = arith.remsi %slice3A_187, %rem3A_240 : vector<1024x1xi32>
    %ne3A_242 = arith.constant 0 : i32
    %ne3A_243 = vector.broadcast %ne3A_242 : i32 to vector<1024x1xi32>
    %ne3A_244 = arith.cmpi ne, %rem3A_241, %ne3A_243 : vector<1024x1xi32>
    %and3A_245 = arith.andi %ne3A_239, %ne3A_244 : vector<1024x1xi1>
    %sub3A_246 = arith.constant 1 : i32
    %sub3A_247 = vector.broadcast %sub3A_246 : i32 to vector<1024x1xi32>
    %sub3A_248 = arith.subi %div3A_221, %sub3A_247 : vector<1024x1xi32>
    %select_n3A_249 = arith.select %and3A_245, %sub3A_248, %div3A_221 : vector<1024x1xi1>, vector<1024x1xi32>
    %jit3A_250 = arith.constant 2 : i32
    %eq3A_251 = arith.constant 0 : i32
    %eq3A_252 = arith.cmpi eq, %jit3A_250, %eq3A_251 : i32
    %jit3A_253 = arith.constant 1 : i32
    %select_n3A_254 = arith.select %eq3A_252, %jit3A_253, %jit3A_250 : i32
    %rem3A_255 = vector.broadcast %select_n3A_254 : i32 to vector<1024x1xi32>
    %rem3A_256 = arith.remsi %select_n3A_249, %rem3A_255 : vector<1024x1xi32>
    %ne3A_257 = arith.constant 0 : i32
    %ne3A_258 = vector.broadcast %ne3A_257 : i32 to vector<1024x1xi32>
    %ne3A_259 = arith.cmpi ne, %rem3A_256, %ne3A_258 : vector<1024x1xi32>
    %lt3A_260 = arith.constant 0 : i32
    %lt3A_261 = vector.broadcast %lt3A_260 : i32 to vector<1024x1xi32>
    %lt3A_262 = arith.cmpi slt, %rem3A_256, %lt3A_261 : vector<1024x1xi32>
    %lt3A_263 = arith.constant 0 : i32
    %lt3A_264 = arith.cmpi slt, %select_n3A_254, %lt3A_263 : i32
    %ne3A_265 = vector.broadcast %lt3A_264 : i1 to vector<1024x1xi1>
    %ne3A_266 = vector.broadcast %ne3A_265 : vector<1024x1xi1> to vector<1024x1xi1>
    %ne3A_267 = arith.xori %lt3A_262, %ne3A_266 : vector<1024x1xi1>
    %and3A_268 = arith.andi %ne3A_267, %ne3A_259 : vector<1024x1xi1>
    %add3A_269 = vector.broadcast %select_n3A_254 : i32 to vector<1024x1xi32>
    %add3A_270 = arith.addi %rem3A_256, %add3A_269 : vector<1024x1xi32>
    %select_n3A_271 = arith.select %and3A_268, %add3A_270, %rem3A_256 : vector<1024x1xi1>, vector<1024x1xi32>
    %eq3A_272 = arith.constant 1 : i32
    %eq3A_273 = vector.broadcast %eq3A_272 : i32 to vector<1024x1xi32>
    %eq3A_274 = arith.cmpi eq, %select_n3A_271, %eq3A_273 : vector<1024x1xi32>
    %and3A_275 = arith.constant -65536 : i32
    %and3A_276 = vector.broadcast %and3A_275 : i32 to vector<1024x1xi32>
    %and3A_277 = arith.andi %broadcast_in_dim3A_218, %and3A_276 : vector<1024x1xi32>
    %shift_left3A_278 = arith.constant 16 : i32
    %shift_left3A_279 = vector.broadcast %shift_left3A_278 : i32 to vector<1024x1xi32>
    %shift_left3A_280 = arith.shli %broadcast_in_dim3A_218, %shift_left3A_279 : vector<1024x1xi32>
    %select_n3A_281 = arith.select %eq3A_274, %and3A_277, %shift_left3A_280 : vector<1024x1xi1>, vector<1024x1xi32>
    %bitcast_convert_type3A_282 = tpu.bitcast %select_n3A_281 : vector<1024x1xi32> -> vector<1024x1xf32>
    %slice3A_283 = vector.extract_strided_slice %get3A_5 {offsets = [0, 3], sizes = [1024, 1], strides = [1, 1]} : vector<1024x5xi32> to vector<1024x1xi32>
    %jit3A_284 = arith.constant 128 : i32
    %eq3A_285 = arith.constant 0 : i32
    %eq3A_286 = arith.cmpi eq, %jit3A_284, %eq3A_285 : i32
    %jit3A_287 = arith.constant 1 : i32
    %select_n3A_288 = arith.select %eq3A_286, %jit3A_287, %jit3A_284 : i32
    %rem3A_289 = vector.broadcast %select_n3A_288 : i32 to vector<1024x1xi32>
    %rem3A_290 = arith.remsi %slice3A_283, %rem3A_289 : vector<1024x1xi32>
    %ne3A_291 = arith.constant 0 : i32
    %ne3A_292 = vector.broadcast %ne3A_291 : i32 to vector<1024x1xi32>
    %ne3A_293 = arith.cmpi ne, %rem3A_290, %ne3A_292 : vector<1024x1xi32>
    %lt3A_294 = arith.constant 0 : i32
    %lt3A_295 = vector.broadcast %lt3A_294 : i32 to vector<1024x1xi32>
    %lt3A_296 = arith.cmpi slt, %rem3A_290, %lt3A_295 : vector<1024x1xi32>
    %lt3A_297 = arith.constant 0 : i32
    %lt3A_298 = arith.cmpi slt, %select_n3A_288, %lt3A_297 : i32
    %ne3A_299 = vector.broadcast %lt3A_298 : i1 to vector<1024x1xi1>
    %ne3A_300 = vector.broadcast %ne3A_299 : vector<1024x1xi1> to vector<1024x1xi1>
    %ne3A_301 = arith.xori %lt3A_296, %ne3A_300 : vector<1024x1xi1>
    %and3A_302 = arith.andi %ne3A_301, %ne3A_293 : vector<1024x1xi1>
    %add3A_303 = vector.broadcast %select_n3A_288 : i32 to vector<1024x1xi32>
    %add3A_304 = arith.addi %rem3A_290, %add3A_303 : vector<1024x1xi32>
    %select_n3A_305 = arith.select %and3A_302, %add3A_304, %rem3A_290 : vector<1024x1xi1>, vector<1024x1xi32>
    %eq3A_306 = vector.broadcast %select_n3A_305 : vector<1024x1xi32> to vector<1024x128xi32>
    %eq3A_307 = arith.cmpi eq, %iota3A, %eq3A_306 : vector<1024x128xi32>
    %slice3A_308 = vector.extract_strided_slice %get3A_8 {offsets = [0, 384], sizes = [1024, 128], strides = [1, 1]} : vector<1024x640xi32> to vector<1024x128xi32>
    %jit3A_309 = arith.constant 0 : i32
    %broadcast_in_dim3A_310 = vector.broadcast %jit3A_309 : i32 to vector<1024x128xi32>
    %select_n3A_311 = arith.select %eq3A_307, %slice3A_308, %broadcast_in_dim3A_310 : vector<1024x128xi1>, vector<1024x128xi32>
    %reduce_sum3A_312 = arith.constant dense<0> : vector<1024xi32>
    %reduce_sum3A_313 = vector.multi_reduction <add>, %select_n3A_311, %reduce_sum3A_312 [1] : vector<1024x128xi32> to vector<1024xi32>
    %broadcast_in_dim3A_314 = vector.shape_cast %reduce_sum3A_313 : vector<1024xi32> to vector<1024x1xi32>
    %jit3A_315 = arith.constant 128 : i32
    %div3A_316 = vector.broadcast %jit3A_315 : i32 to vector<1024x1xi32>
    %div3A_317 = arith.divsi %slice3A_283, %div3A_316 : vector<1024x1xi32>
    %sign3A_318 = arith.constant 0 : i32
    %sign3A_319 = vector.broadcast %sign3A_318 : i32 to vector<1024x1xi32>
    %sign3A_320 = arith.cmpi sgt, %slice3A_283, %sign3A_319 : vector<1024x1xi32>
    %sign3A_321 = arith.extui %sign3A_320 : vector<1024x1xi1> to vector<1024x1xi32>
    %sign3A_322 = arith.constant 0 : i32
    %sign3A_323 = vector.broadcast %sign3A_322 : i32 to vector<1024x1xi32>
    %sign3A_324 = arith.cmpi slt, %slice3A_283, %sign3A_323 : vector<1024x1xi32>
    %sign3A_325 = arith.extui %sign3A_324 : vector<1024x1xi1> to vector<1024x1xi32>
    %sign3A_326 = arith.subi %sign3A_321, %sign3A_325 : vector<1024x1xi32>
    %sign3A_327 = arith.constant 0 : i32
    %sign3A_328 = arith.cmpi sgt, %jit3A_315, %sign3A_327 : i32
    %sign3A_329 = arith.extui %sign3A_328 : i1 to i32
    %sign3A_330 = arith.constant 0 : i32
    %sign3A_331 = arith.cmpi slt, %jit3A_315, %sign3A_330 : i32
    %sign3A_332 = arith.extui %sign3A_331 : i1 to i32
    %sign3A_333 = arith.subi %sign3A_329, %sign3A_332 : i32
    %ne3A_334 = vector.broadcast %sign3A_333 : i32 to vector<1024x1xi32>
    %ne3A_335 = arith.cmpi ne, %sign3A_326, %ne3A_334 : vector<1024x1xi32>
    %rem3A_336 = vector.broadcast %jit3A_315 : i32 to vector<1024x1xi32>
    %rem3A_337 = arith.remsi %slice3A_283, %rem3A_336 : vector<1024x1xi32>
    %ne3A_338 = arith.constant 0 : i32
    %ne3A_339 = vector.broadcast %ne3A_338 : i32 to vector<1024x1xi32>
    %ne3A_340 = arith.cmpi ne, %rem3A_337, %ne3A_339 : vector<1024x1xi32>
    %and3A_341 = arith.andi %ne3A_335, %ne3A_340 : vector<1024x1xi1>
    %sub3A_342 = arith.constant 1 : i32
    %sub3A_343 = vector.broadcast %sub3A_342 : i32 to vector<1024x1xi32>
    %sub3A_344 = arith.subi %div3A_317, %sub3A_343 : vector<1024x1xi32>
    %select_n3A_345 = arith.select %and3A_341, %sub3A_344, %div3A_317 : vector<1024x1xi1>, vector<1024x1xi32>
    %jit3A_346 = arith.constant 2 : i32
    %eq3A_347 = arith.constant 0 : i32
    %eq3A_348 = arith.cmpi eq, %jit3A_346, %eq3A_347 : i32
    %jit3A_349 = arith.constant 1 : i32
    %select_n3A_350 = arith.select %eq3A_348, %jit3A_349, %jit3A_346 : i32
    %rem3A_351 = vector.broadcast %select_n3A_350 : i32 to vector<1024x1xi32>
    %rem3A_352 = arith.remsi %select_n3A_345, %rem3A_351 : vector<1024x1xi32>
    %ne3A_353 = arith.constant 0 : i32
    %ne3A_354 = vector.broadcast %ne3A_353 : i32 to vector<1024x1xi32>
    %ne3A_355 = arith.cmpi ne, %rem3A_352, %ne3A_354 : vector<1024x1xi32>
    %lt3A_356 = arith.constant 0 : i32
    %lt3A_357 = vector.broadcast %lt3A_356 : i32 to vector<1024x1xi32>
    %lt3A_358 = arith.cmpi slt, %rem3A_352, %lt3A_357 : vector<1024x1xi32>
    %lt3A_359 = arith.constant 0 : i32
    %lt3A_360 = arith.cmpi slt, %select_n3A_350, %lt3A_359 : i32
    %ne3A_361 = vector.broadcast %lt3A_360 : i1 to vector<1024x1xi1>
    %ne3A_362 = vector.broadcast %ne3A_361 : vector<1024x1xi1> to vector<1024x1xi1>
    %ne3A_363 = arith.xori %lt3A_358, %ne3A_362 : vector<1024x1xi1>
    %and3A_364 = arith.andi %ne3A_363, %ne3A_355 : vector<1024x1xi1>
    %add3A_365 = vector.broadcast %select_n3A_350 : i32 to vector<1024x1xi32>
    %add3A_366 = arith.addi %rem3A_352, %add3A_365 : vector<1024x1xi32>
    %select_n3A_367 = arith.select %and3A_364, %add3A_366, %rem3A_352 : vector<1024x1xi1>, vector<1024x1xi32>
    %eq3A_368 = arith.constant 1 : i32
    %eq3A_369 = vector.broadcast %eq3A_368 : i32 to vector<1024x1xi32>
    %eq3A_370 = arith.cmpi eq, %select_n3A_367, %eq3A_369 : vector<1024x1xi32>
    %and3A_371 = arith.constant -65536 : i32
    %and3A_372 = vector.broadcast %and3A_371 : i32 to vector<1024x1xi32>
    %and3A_373 = arith.andi %broadcast_in_dim3A_314, %and3A_372 : vector<1024x1xi32>
    %shift_left3A_374 = arith.constant 16 : i32
    %shift_left3A_375 = vector.broadcast %shift_left3A_374 : i32 to vector<1024x1xi32>
    %shift_left3A_376 = arith.shli %broadcast_in_dim3A_314, %shift_left3A_375 : vector<1024x1xi32>
    %select_n3A_377 = arith.select %eq3A_370, %and3A_373, %shift_left3A_376 : vector<1024x1xi1>, vector<1024x1xi32>
    %bitcast_convert_type3A_378 = tpu.bitcast %select_n3A_377 : vector<1024x1xi32> -> vector<1024x1xf32>
    %slice3A_379 = vector.extract_strided_slice %get3A_5 {offsets = [0, 4], sizes = [1024, 1], strides = [1, 1]} : vector<1024x5xi32> to vector<1024x1xi32>
    %jit3A_380 = arith.constant 128 : i32
    %eq3A_381 = arith.constant 0 : i32
    %eq3A_382 = arith.cmpi eq, %jit3A_380, %eq3A_381 : i32
    %jit3A_383 = arith.constant 1 : i32
    %select_n3A_384 = arith.select %eq3A_382, %jit3A_383, %jit3A_380 : i32
    %rem3A_385 = vector.broadcast %select_n3A_384 : i32 to vector<1024x1xi32>
    %rem3A_386 = arith.remsi %slice3A_379, %rem3A_385 : vector<1024x1xi32>
    %ne3A_387 = arith.constant 0 : i32
    %ne3A_388 = vector.broadcast %ne3A_387 : i32 to vector<1024x1xi32>
    %ne3A_389 = arith.cmpi ne, %rem3A_386, %ne3A_388 : vector<1024x1xi32>
    %lt3A_390 = arith.constant 0 : i32
    %lt3A_391 = vector.broadcast %lt3A_390 : i32 to vector<1024x1xi32>
    %lt3A_392 = arith.cmpi slt, %rem3A_386, %lt3A_391 : vector<1024x1xi32>
    %lt3A_393 = arith.constant 0 : i32
    %lt3A_394 = arith.cmpi slt, %select_n3A_384, %lt3A_393 : i32
    %ne3A_395 = vector.broadcast %lt3A_394 : i1 to vector<1024x1xi1>
    %ne3A_396 = vector.broadcast %ne3A_395 : vector<1024x1xi1> to vector<1024x1xi1>
    %ne3A_397 = arith.xori %lt3A_392, %ne3A_396 : vector<1024x1xi1>
    %and3A_398 = arith.andi %ne3A_397, %ne3A_389 : vector<1024x1xi1>
    %add3A_399 = vector.broadcast %select_n3A_384 : i32 to vector<1024x1xi32>
    %add3A_400 = arith.addi %rem3A_386, %add3A_399 : vector<1024x1xi32>
    %select_n3A_401 = arith.select %and3A_398, %add3A_400, %rem3A_386 : vector<1024x1xi1>, vector<1024x1xi32>
    %eq3A_402 = vector.broadcast %select_n3A_401 : vector<1024x1xi32> to vector<1024x128xi32>
    %eq3A_403 = arith.cmpi eq, %iota3A, %eq3A_402 : vector<1024x128xi32>
    %slice3A_404 = vector.extract_strided_slice %get3A_8 {offsets = [0, 512], sizes = [1024, 128], strides = [1, 1]} : vector<1024x640xi32> to vector<1024x128xi32>
    %jit3A_405 = arith.constant 0 : i32
    %broadcast_in_dim3A_406 = vector.broadcast %jit3A_405 : i32 to vector<1024x128xi32>
    %select_n3A_407 = arith.select %eq3A_403, %slice3A_404, %broadcast_in_dim3A_406 : vector<1024x128xi1>, vector<1024x128xi32>
    %reduce_sum3A_408 = arith.constant dense<0> : vector<1024xi32>
    %reduce_sum3A_409 = vector.multi_reduction <add>, %select_n3A_407, %reduce_sum3A_408 [1] : vector<1024x128xi32> to vector<1024xi32>
    %broadcast_in_dim3A_410 = vector.shape_cast %reduce_sum3A_409 : vector<1024xi32> to vector<1024x1xi32>
    %jit3A_411 = arith.constant 128 : i32
    %div3A_412 = vector.broadcast %jit3A_411 : i32 to vector<1024x1xi32>
    %div3A_413 = arith.divsi %slice3A_379, %div3A_412 : vector<1024x1xi32>
    %sign3A_414 = arith.constant 0 : i32
    %sign3A_415 = vector.broadcast %sign3A_414 : i32 to vector<1024x1xi32>
    %sign3A_416 = arith.cmpi sgt, %slice3A_379, %sign3A_415 : vector<1024x1xi32>
    %sign3A_417 = arith.extui %sign3A_416 : vector<1024x1xi1> to vector<1024x1xi32>
    %sign3A_418 = arith.constant 0 : i32
    %sign3A_419 = vector.broadcast %sign3A_418 : i32 to vector<1024x1xi32>
    %sign3A_420 = arith.cmpi slt, %slice3A_379, %sign3A_419 : vector<1024x1xi32>
    %sign3A_421 = arith.extui %sign3A_420 : vector<1024x1xi1> to vector<1024x1xi32>
    %sign3A_422 = arith.subi %sign3A_417, %sign3A_421 : vector<1024x1xi32>
    %sign3A_423 = arith.constant 0 : i32
    %sign3A_424 = arith.cmpi sgt, %jit3A_411, %sign3A_423 : i32
    %sign3A_425 = arith.extui %sign3A_424 : i1 to i32
    %sign3A_426 = arith.constant 0 : i32
    %sign3A_427 = arith.cmpi slt, %jit3A_411, %sign3A_426 : i32
    %sign3A_428 = arith.extui %sign3A_427 : i1 to i32
    %sign3A_429 = arith.subi %sign3A_425, %sign3A_428 : i32
    %ne3A_430 = vector.broadcast %sign3A_429 : i32 to vector<1024x1xi32>
    %ne3A_431 = arith.cmpi ne, %sign3A_422, %ne3A_430 : vector<1024x1xi32>
    %rem3A_432 = vector.broadcast %jit3A_411 : i32 to vector<1024x1xi32>
    %rem3A_433 = arith.remsi %slice3A_379, %rem3A_432 : vector<1024x1xi32>
    %ne3A_434 = arith.constant 0 : i32
    %ne3A_435 = vector.broadcast %ne3A_434 : i32 to vector<1024x1xi32>
    %ne3A_436 = arith.cmpi ne, %rem3A_433, %ne3A_435 : vector<1024x1xi32>
    %and3A_437 = arith.andi %ne3A_431, %ne3A_436 : vector<1024x1xi1>
    %sub3A_438 = arith.constant 1 : i32
    %sub3A_439 = vector.broadcast %sub3A_438 : i32 to vector<1024x1xi32>
    %sub3A_440 = arith.subi %div3A_413, %sub3A_439 : vector<1024x1xi32>
    %select_n3A_441 = arith.select %and3A_437, %sub3A_440, %div3A_413 : vector<1024x1xi1>, vector<1024x1xi32>
    %jit3A_442 = arith.constant 2 : i32
    %eq3A_443 = arith.constant 0 : i32
    %eq3A_444 = arith.cmpi eq, %jit3A_442, %eq3A_443 : i32
    %jit3A_445 = arith.constant 1 : i32
    %select_n3A_446 = arith.select %eq3A_444, %jit3A_445, %jit3A_442 : i32
    %rem3A_447 = vector.broadcast %select_n3A_446 : i32 to vector<1024x1xi32>
    %rem3A_448 = arith.remsi %select_n3A_441, %rem3A_447 : vector<1024x1xi32>
    %ne3A_449 = arith.constant 0 : i32
    %ne3A_450 = vector.broadcast %ne3A_449 : i32 to vector<1024x1xi32>
    %ne3A_451 = arith.cmpi ne, %rem3A_448, %ne3A_450 : vector<1024x1xi32>
    %lt3A_452 = arith.constant 0 : i32
    %lt3A_453 = vector.broadcast %lt3A_452 : i32 to vector<1024x1xi32>
    %lt3A_454 = arith.cmpi slt, %rem3A_448, %lt3A_453 : vector<1024x1xi32>
    %lt3A_455 = arith.constant 0 : i32
    %lt3A_456 = arith.cmpi slt, %select_n3A_446, %lt3A_455 : i32
    %ne3A_457 = vector.broadcast %lt3A_456 : i1 to vector<1024x1xi1>
    %ne3A_458 = vector.broadcast %ne3A_457 : vector<1024x1xi1> to vector<1024x1xi1>
    %ne3A_459 = arith.xori %lt3A_454, %ne3A_458 : vector<1024x1xi1>
    %and3A_460 = arith.andi %ne3A_459, %ne3A_451 : vector<1024x1xi1>
    %add3A_461 = vector.broadcast %select_n3A_446 : i32 to vector<1024x1xi32>
    %add3A_462 = arith.addi %rem3A_448, %add3A_461 : vector<1024x1xi32>
    %select_n3A_463 = arith.select %and3A_460, %add3A_462, %rem3A_448 : vector<1024x1xi1>, vector<1024x1xi32>
    %eq3A_464 = arith.constant 1 : i32
    %eq3A_465 = vector.broadcast %eq3A_464 : i32 to vector<1024x1xi32>
    %eq3A_466 = arith.cmpi eq, %select_n3A_463, %eq3A_465 : vector<1024x1xi32>
    %and3A_467 = arith.constant -65536 : i32
    %and3A_468 = vector.broadcast %and3A_467 : i32 to vector<1024x1xi32>
    %and3A_469 = arith.andi %broadcast_in_dim3A_410, %and3A_468 : vector<1024x1xi32>
    %shift_left3A_470 = arith.constant 16 : i32
    %shift_left3A_471 = vector.broadcast %shift_left3A_470 : i32 to vector<1024x1xi32>
    %shift_left3A_472 = arith.shli %broadcast_in_dim3A_410, %shift_left3A_471 : vector<1024x1xi32>
    %select_n3A_473 = arith.select %eq3A_466, %and3A_469, %shift_left3A_472 : vector<1024x1xi1>, vector<1024x1xi32>
    %bitcast_convert_type3A_474 = tpu.bitcast %select_n3A_473 : vector<1024x1xi32> -> vector<1024x1xf32>
    %add3A_475 = arith.addf %bitcast_convert_type3A, %bitcast_convert_type3A_186 : vector<1024x1xf32>
    %add3A_476 = arith.addf %add3A_475, %bitcast_convert_type3A_282 : vector<1024x1xf32>
    %add3A_477 = arith.addf %add3A_476, %bitcast_convert_type3A_378 : vector<1024x1xf32>
    %add3A_478 = arith.addf %add3A_477, %bitcast_convert_type3A_474 : vector<1024x1xf32>
    %div3A_479 = arith.constant 5.000000e+00 : f32
    %div3A_480 = vector.broadcast %div3A_479 : f32 to vector<1024x1xf32>
    %div3A_481 = arith.divf %add3A_478, %div3A_480 : vector<1024x1xf32>
    %abs3A = math.absf %bitcast_convert_type3A : vector<1024x1xf32>
    %mul3A = arith.constant -1.44269502 : f32
    %mul3A_482 = vector.broadcast %mul3A : f32 to vector<1024x1xf32>
    %mul3A_483 = arith.mulf %abs3A, %mul3A_482 : vector<1024x1xf32>
    %exp23A = math.exp2 %mul3A_483 : vector<1024x1xf32>
    %max3A = arith.constant 0.000000e+00 : f32
    %max3A_484 = vector.broadcast %max3A : f32 to vector<1024x1xf32>
    %max3A_485 = arith.maximumf %bitcast_convert_type3A, %max3A_484 : vector<1024x1xf32>
    %add3A_486 = arith.constant 1.000000e+00 : f32
    %add3A_487 = vector.broadcast %add3A_486 : f32 to vector<1024x1xf32>
    %add3A_488 = arith.addf %add3A_487, %exp23A : vector<1024x1xf32>
    %log3A = math.log %add3A_488 : vector<1024x1xf32>
    %log3A_489 = arith.constant 2.000000e+00 : f32
    %log3A_490 = math.log %log3A_489 : f32
    %div3A_491 = vector.broadcast %log3A_490 : f32 to vector<1024x1xf32>
    %div3A_492 = arith.divf %log3A, %div3A_491 : vector<1024x1xf32>
    %mul3A_493 = arith.constant 0.693147182 : f32
    %mul3A_494 = vector.broadcast %mul3A_493 : f32 to vector<1024x1xf32>
    %mul3A_495 = arith.mulf %div3A_492, %mul3A_494 : vector<1024x1xf32>
    %add3A_496 = arith.addf %max3A_485, %mul3A_495 : vector<1024x1xf32>
    %broadcast_in_dim3A_497 = arith.constant 1.000000e+00 : f32
    %broadcast_in_dim3A_498 = vector.broadcast %broadcast_in_dim3A_497 : f32 to vector<1024x1xf32>
    %broadcast_in_dim3A_499 = arith.constant 1.000000e+00 : f32
    %broadcast_in_dim3A_500 = vector.broadcast %broadcast_in_dim3A_499 : f32 to vector<1024x1xf32>
    %slice3A_501 = vector.extract_strided_slice %get3A_5 {offsets = [0, 1], sizes = [1024, 1], strides = [1, 1]} : vector<1024x5xi32> to vector<1024x1xi32>
    %slice3A_502 = vector.extract_strided_slice %get3A_5 {offsets = [0, 0], sizes = [1024, 1], strides = [1, 1]} : vector<1024x5xi32> to vector<1024x1xi32>
    %ne3A_503 = arith.cmpi ne, %slice3A_501, %slice3A_502 : vector<1024x1xi32>
    %convert_element_type3A = arith.extui %ne3A_503 : vector<1024x1xi1> to vector<1024x1xi32>
    %convert_element_type3A_504 = arith.sitofp %convert_element_type3A : vector<1024x1xi32> to vector<1024x1xf32>
    %mul3A_505 = arith.mulf %broadcast_in_dim3A_500, %convert_element_type3A_504 : vector<1024x1xf32>
    %abs3A_506 = math.absf %bitcast_convert_type3A_186 : vector<1024x1xf32>
    %mul3A_507 = arith.constant -1.44269502 : f32
    %mul3A_508 = vector.broadcast %mul3A_507 : f32 to vector<1024x1xf32>
    %mul3A_509 = arith.mulf %abs3A_506, %mul3A_508 : vector<1024x1xf32>
    %exp23A_510 = math.exp2 %mul3A_509 : vector<1024x1xf32>
    %max3A_511 = arith.constant 0.000000e+00 : f32
    %max3A_512 = vector.broadcast %max3A_511 : f32 to vector<1024x1xf32>
    %max3A_513 = arith.maximumf %bitcast_convert_type3A_186, %max3A_512 : vector<1024x1xf32>
    %add3A_514 = arith.constant 1.000000e+00 : f32
    %add3A_515 = vector.broadcast %add3A_514 : f32 to vector<1024x1xf32>
    %add3A_516 = arith.addf %add3A_515, %exp23A_510 : vector<1024x1xf32>
    %log3A_517 = math.log %add3A_516 : vector<1024x1xf32>
    %log3A_518 = arith.constant 2.000000e+00 : f32
    %log3A_519 = math.log %log3A_518 : f32
    %div3A_520 = vector.broadcast %log3A_519 : f32 to vector<1024x1xf32>
    %div3A_521 = arith.divf %log3A_517, %div3A_520 : vector<1024x1xf32>
    %mul3A_522 = arith.constant 0.693147182 : f32
    %mul3A_523 = vector.broadcast %mul3A_522 : f32 to vector<1024x1xf32>
    %mul3A_524 = arith.mulf %div3A_521, %mul3A_523 : vector<1024x1xf32>
    %add3A_525 = arith.addf %max3A_513, %mul3A_524 : vector<1024x1xf32>
    %mul3A_526 = arith.mulf %mul3A_505, %add3A_525 : vector<1024x1xf32>
    %add3A_527 = arith.addf %add3A_496, %mul3A_526 : vector<1024x1xf32>
    %add3A_528 = arith.addf %broadcast_in_dim3A_498, %mul3A_505 : vector<1024x1xf32>
    %broadcast_in_dim3A_529 = arith.constant 1.000000e+00 : f32
    %broadcast_in_dim3A_530 = vector.broadcast %broadcast_in_dim3A_529 : f32 to vector<1024x1xf32>
    %slice3A_531 = vector.extract_strided_slice %get3A_5 {offsets = [0, 2], sizes = [1024, 1], strides = [1, 1]} : vector<1024x5xi32> to vector<1024x1xi32>
    %slice3A_532 = vector.extract_strided_slice %get3A_5 {offsets = [0, 0], sizes = [1024, 1], strides = [1, 1]} : vector<1024x5xi32> to vector<1024x1xi32>
    %ne3A_533 = arith.cmpi ne, %slice3A_531, %slice3A_532 : vector<1024x1xi32>
    %convert_element_type3A_534 = arith.extui %ne3A_533 : vector<1024x1xi1> to vector<1024x1xi32>
    %convert_element_type3A_535 = arith.sitofp %convert_element_type3A_534 : vector<1024x1xi32> to vector<1024x1xf32>
    %mul3A_536 = arith.mulf %broadcast_in_dim3A_530, %convert_element_type3A_535 : vector<1024x1xf32>
    %slice3A_537 = vector.extract_strided_slice %get3A_5 {offsets = [0, 2], sizes = [1024, 1], strides = [1, 1]} : vector<1024x5xi32> to vector<1024x1xi32>
    %slice3A_538 = vector.extract_strided_slice %get3A_5 {offsets = [0, 1], sizes = [1024, 1], strides = [1, 1]} : vector<1024x5xi32> to vector<1024x1xi32>
    %ne3A_539 = arith.cmpi ne, %slice3A_537, %slice3A_538 : vector<1024x1xi32>
    %convert_element_type3A_540 = arith.extui %ne3A_539 : vector<1024x1xi1> to vector<1024x1xi32>
    %convert_element_type3A_541 = arith.sitofp %convert_element_type3A_540 : vector<1024x1xi32> to vector<1024x1xf32>
    %mul3A_542 = arith.mulf %mul3A_536, %convert_element_type3A_541 : vector<1024x1xf32>
    %abs3A_543 = math.absf %bitcast_convert_type3A_282 : vector<1024x1xf32>
    %mul3A_544 = arith.constant -1.44269502 : f32
    %mul3A_545 = vector.broadcast %mul3A_544 : f32 to vector<1024x1xf32>
    %mul3A_546 = arith.mulf %abs3A_543, %mul3A_545 : vector<1024x1xf32>
    %exp23A_547 = math.exp2 %mul3A_546 : vector<1024x1xf32>
    %max3A_548 = arith.constant 0.000000e+00 : f32
    %max3A_549 = vector.broadcast %max3A_548 : f32 to vector<1024x1xf32>
    %max3A_550 = arith.maximumf %bitcast_convert_type3A_282, %max3A_549 : vector<1024x1xf32>
    %add3A_551 = arith.constant 1.000000e+00 : f32
    %add3A_552 = vector.broadcast %add3A_551 : f32 to vector<1024x1xf32>
    %add3A_553 = arith.addf %add3A_552, %exp23A_547 : vector<1024x1xf32>
    %log3A_554 = math.log %add3A_553 : vector<1024x1xf32>
    %log3A_555 = arith.constant 2.000000e+00 : f32
    %log3A_556 = math.log %log3A_555 : f32
    %div3A_557 = vector.broadcast %log3A_556 : f32 to vector<1024x1xf32>
    %div3A_558 = arith.divf %log3A_554, %div3A_557 : vector<1024x1xf32>
    %mul3A_559 = arith.constant 0.693147182 : f32
    %mul3A_560 = vector.broadcast %mul3A_559 : f32 to vector<1024x1xf32>
    %mul3A_561 = arith.mulf %div3A_558, %mul3A_560 : vector<1024x1xf32>
    %add3A_562 = arith.addf %max3A_550, %mul3A_561 : vector<1024x1xf32>
    %mul3A_563 = arith.mulf %mul3A_542, %add3A_562 : vector<1024x1xf32>
    %add3A_564 = arith.addf %add3A_527, %mul3A_563 : vector<1024x1xf32>
    %add3A_565 = arith.addf %add3A_528, %mul3A_542 : vector<1024x1xf32>
    %broadcast_in_dim3A_566 = arith.constant 1.000000e+00 : f32
    %broadcast_in_dim3A_567 = vector.broadcast %broadcast_in_dim3A_566 : f32 to vector<1024x1xf32>
    %slice3A_568 = vector.extract_strided_slice %get3A_5 {offsets = [0, 3], sizes = [1024, 1], strides = [1, 1]} : vector<1024x5xi32> to vector<1024x1xi32>
    %slice3A_569 = vector.extract_strided_slice %get3A_5 {offsets = [0, 0], sizes = [1024, 1], strides = [1, 1]} : vector<1024x5xi32> to vector<1024x1xi32>
    %ne3A_570 = arith.cmpi ne, %slice3A_568, %slice3A_569 : vector<1024x1xi32>
    %convert_element_type3A_571 = arith.extui %ne3A_570 : vector<1024x1xi1> to vector<1024x1xi32>
    %convert_element_type3A_572 = arith.sitofp %convert_element_type3A_571 : vector<1024x1xi32> to vector<1024x1xf32>
    %mul3A_573 = arith.mulf %broadcast_in_dim3A_567, %convert_element_type3A_572 : vector<1024x1xf32>
    %slice3A_574 = vector.extract_strided_slice %get3A_5 {offsets = [0, 3], sizes = [1024, 1], strides = [1, 1]} : vector<1024x5xi32> to vector<1024x1xi32>
    %slice3A_575 = vector.extract_strided_slice %get3A_5 {offsets = [0, 1], sizes = [1024, 1], strides = [1, 1]} : vector<1024x5xi32> to vector<1024x1xi32>
    %ne3A_576 = arith.cmpi ne, %slice3A_574, %slice3A_575 : vector<1024x1xi32>
    %convert_element_type3A_577 = arith.extui %ne3A_576 : vector<1024x1xi1> to vector<1024x1xi32>
    %convert_element_type3A_578 = arith.sitofp %convert_element_type3A_577 : vector<1024x1xi32> to vector<1024x1xf32>
    %mul3A_579 = arith.mulf %mul3A_573, %convert_element_type3A_578 : vector<1024x1xf32>
    %slice3A_580 = vector.extract_strided_slice %get3A_5 {offsets = [0, 3], sizes = [1024, 1], strides = [1, 1]} : vector<1024x5xi32> to vector<1024x1xi32>
    %slice3A_581 = vector.extract_strided_slice %get3A_5 {offsets = [0, 2], sizes = [1024, 1], strides = [1, 1]} : vector<1024x5xi32> to vector<1024x1xi32>
    %ne3A_582 = arith.cmpi ne, %slice3A_580, %slice3A_581 : vector<1024x1xi32>
    %convert_element_type3A_583 = arith.extui %ne3A_582 : vector<1024x1xi1> to vector<1024x1xi32>
    %convert_element_type3A_584 = arith.sitofp %convert_element_type3A_583 : vector<1024x1xi32> to vector<1024x1xf32>
    %mul3A_585 = arith.mulf %mul3A_579, %convert_element_type3A_584 : vector<1024x1xf32>
    %abs3A_586 = math.absf %bitcast_convert_type3A_378 : vector<1024x1xf32>
    %mul3A_587 = arith.constant -1.44269502 : f32
    %mul3A_588 = vector.broadcast %mul3A_587 : f32 to vector<1024x1xf32>
    %mul3A_589 = arith.mulf %abs3A_586, %mul3A_588 : vector<1024x1xf32>
    %exp23A_590 = math.exp2 %mul3A_589 : vector<1024x1xf32>
    %max3A_591 = arith.constant 0.000000e+00 : f32
    %max3A_592 = vector.broadcast %max3A_591 : f32 to vector<1024x1xf32>
    %max3A_593 = arith.maximumf %bitcast_convert_type3A_378, %max3A_592 : vector<1024x1xf32>
    %add3A_594 = arith.constant 1.000000e+00 : f32
    %add3A_595 = vector.broadcast %add3A_594 : f32 to vector<1024x1xf32>
    %add3A_596 = arith.addf %add3A_595, %exp23A_590 : vector<1024x1xf32>
    %log3A_597 = math.log %add3A_596 : vector<1024x1xf32>
    %log3A_598 = arith.constant 2.000000e+00 : f32
    %log3A_599 = math.log %log3A_598 : f32
    %div3A_600 = vector.broadcast %log3A_599 : f32 to vector<1024x1xf32>
    %div3A_601 = arith.divf %log3A_597, %div3A_600 : vector<1024x1xf32>
    %mul3A_602 = arith.constant 0.693147182 : f32
    %mul3A_603 = vector.broadcast %mul3A_602 : f32 to vector<1024x1xf32>
    %mul3A_604 = arith.mulf %div3A_601, %mul3A_603 : vector<1024x1xf32>
    %add3A_605 = arith.addf %max3A_593, %mul3A_604 : vector<1024x1xf32>
    %mul3A_606 = arith.mulf %mul3A_585, %add3A_605 : vector<1024x1xf32>
    %add3A_607 = arith.addf %add3A_564, %mul3A_606 : vector<1024x1xf32>
    %add3A_608 = arith.addf %add3A_565, %mul3A_585 : vector<1024x1xf32>
    %broadcast_in_dim3A_609 = arith.constant 1.000000e+00 : f32
    %broadcast_in_dim3A_610 = vector.broadcast %broadcast_in_dim3A_609 : f32 to vector<1024x1xf32>
    %slice3A_611 = vector.extract_strided_slice %get3A_5 {offsets = [0, 4], sizes = [1024, 1], strides = [1, 1]} : vector<1024x5xi32> to vector<1024x1xi32>
    %slice3A_612 = vector.extract_strided_slice %get3A_5 {offsets = [0, 0], sizes = [1024, 1], strides = [1, 1]} : vector<1024x5xi32> to vector<1024x1xi32>
    %ne3A_613 = arith.cmpi ne, %slice3A_611, %slice3A_612 : vector<1024x1xi32>
    %convert_element_type3A_614 = arith.extui %ne3A_613 : vector<1024x1xi1> to vector<1024x1xi32>
    %convert_element_type3A_615 = arith.sitofp %convert_element_type3A_614 : vector<1024x1xi32> to vector<1024x1xf32>
    %mul3A_616 = arith.mulf %broadcast_in_dim3A_610, %convert_element_type3A_615 : vector<1024x1xf32>
    %slice3A_617 = vector.extract_strided_slice %get3A_5 {offsets = [0, 4], sizes = [1024, 1], strides = [1, 1]} : vector<1024x5xi32> to vector<1024x1xi32>
    %slice3A_618 = vector.extract_strided_slice %get3A_5 {offsets = [0, 1], sizes = [1024, 1], strides = [1, 1]} : vector<1024x5xi32> to vector<1024x1xi32>
    %ne3A_619 = arith.cmpi ne, %slice3A_617, %slice3A_618 : vector<1024x1xi32>
    %convert_element_type3A_620 = arith.extui %ne3A_619 : vector<1024x1xi1> to vector<1024x1xi32>
    %convert_element_type3A_621 = arith.sitofp %convert_element_type3A_620 : vector<1024x1xi32> to vector<1024x1xf32>
    %mul3A_622 = arith.mulf %mul3A_616, %convert_element_type3A_621 : vector<1024x1xf32>
    %slice3A_623 = vector.extract_strided_slice %get3A_5 {offsets = [0, 4], sizes = [1024, 1], strides = [1, 1]} : vector<1024x5xi32> to vector<1024x1xi32>
    %slice3A_624 = vector.extract_strided_slice %get3A_5 {offsets = [0, 2], sizes = [1024, 1], strides = [1, 1]} : vector<1024x5xi32> to vector<1024x1xi32>
    %ne3A_625 = arith.cmpi ne, %slice3A_623, %slice3A_624 : vector<1024x1xi32>
    %convert_element_type3A_626 = arith.extui %ne3A_625 : vector<1024x1xi1> to vector<1024x1xi32>
    %convert_element_type3A_627 = arith.sitofp %convert_element_type3A_626 : vector<1024x1xi32> to vector<1024x1xf32>
    %mul3A_628 = arith.mulf %mul3A_622, %convert_element_type3A_627 : vector<1024x1xf32>
    %slice3A_629 = vector.extract_strided_slice %get3A_5 {offsets = [0, 4], sizes = [1024, 1], strides = [1, 1]} : vector<1024x5xi32> to vector<1024x1xi32>
    %slice3A_630 = vector.extract_strided_slice %get3A_5 {offsets = [0, 3], sizes = [1024, 1], strides = [1, 1]} : vector<1024x5xi32> to vector<1024x1xi32>
    %ne3A_631 = arith.cmpi ne, %slice3A_629, %slice3A_630 : vector<1024x1xi32>
    %convert_element_type3A_632 = arith.extui %ne3A_631 : vector<1024x1xi1> to vector<1024x1xi32>
    %convert_element_type3A_633 = arith.sitofp %convert_element_type3A_632 : vector<1024x1xi32> to vector<1024x1xf32>
    %mul3A_634 = arith.mulf %mul3A_628, %convert_element_type3A_633 : vector<1024x1xf32>
    %abs3A_635 = math.absf %bitcast_convert_type3A_474 : vector<1024x1xf32>
    %mul3A_636 = arith.constant -1.44269502 : f32
    %mul3A_637 = vector.broadcast %mul3A_636 : f32 to vector<1024x1xf32>
    %mul3A_638 = arith.mulf %abs3A_635, %mul3A_637 : vector<1024x1xf32>
    %exp23A_639 = math.exp2 %mul3A_638 : vector<1024x1xf32>
    %max3A_640 = arith.constant 0.000000e+00 : f32
    %max3A_641 = vector.broadcast %max3A_640 : f32 to vector<1024x1xf32>
    %max3A_642 = arith.maximumf %bitcast_convert_type3A_474, %max3A_641 : vector<1024x1xf32>
    %add3A_643 = arith.constant 1.000000e+00 : f32
    %add3A_644 = vector.broadcast %add3A_643 : f32 to vector<1024x1xf32>
    %add3A_645 = arith.addf %add3A_644, %exp23A_639 : vector<1024x1xf32>
    %log3A_646 = math.log %add3A_645 : vector<1024x1xf32>
    %log3A_647 = arith.constant 2.000000e+00 : f32
    %log3A_648 = math.log %log3A_647 : f32
    %div3A_649 = vector.broadcast %log3A_648 : f32 to vector<1024x1xf32>
    %div3A_650 = arith.divf %log3A_646, %div3A_649 : vector<1024x1xf32>
    %mul3A_651 = arith.constant 0.693147182 : f32
    %mul3A_652 = vector.broadcast %mul3A_651 : f32 to vector<1024x1xf32>
    %mul3A_653 = arith.mulf %div3A_650, %mul3A_652 : vector<1024x1xf32>
    %add3A_654 = arith.addf %max3A_642, %mul3A_653 : vector<1024x1xf32>
    %mul3A_655 = arith.mulf %mul3A_634, %add3A_654 : vector<1024x1xf32>
    %add3A_656 = arith.addf %add3A_607, %mul3A_655 : vector<1024x1xf32>
    %add3A_657 = arith.addf %add3A_608, %mul3A_634 : vector<1024x1xf32>
    %sub3A_658 = arith.subf %broadcast_in_dim3A, %add3A_656 : vector<1024x1xf32>
    %sub3A_659 = arith.constant 1.000000e+05 : f32
    %sub3A_660 = vector.broadcast %sub3A_659 : f32 to vector<1024x1xf32>
    %sub3A_661 = arith.subf %sub3A_660, %add3A_657 : vector<1024x1xf32>
    %div3A_662 = arith.divf %sub3A_658, %sub3A_661 : vector<1024x1xf32>
    %neg3A = arith.constant 0.000000e+00 : f32
    %neg3A_663 = vector.broadcast %neg3A : f32 to vector<1024x1xf32>
    %neg3A_664 = arith.subf %neg3A_663, %div3A_481 : vector<1024x1xf32>
    %abs3A_665 = math.absf %neg3A_664 : vector<1024x1xf32>
    %mul3A_666 = arith.constant -1.44269502 : f32
    %mul3A_667 = vector.broadcast %mul3A_666 : f32 to vector<1024x1xf32>
    %mul3A_668 = arith.mulf %abs3A_665, %mul3A_667 : vector<1024x1xf32>
    %exp23A_669 = math.exp2 %mul3A_668 : vector<1024x1xf32>
    %max3A_670 = arith.constant 0.000000e+00 : f32
    %max3A_671 = vector.broadcast %max3A_670 : f32 to vector<1024x1xf32>
    %max3A_672 = arith.maximumf %neg3A_664, %max3A_671 : vector<1024x1xf32>
    %add3A_673 = arith.constant 1.000000e+00 : f32
    %add3A_674 = vector.broadcast %add3A_673 : f32 to vector<1024x1xf32>
    %add3A_675 = arith.addf %add3A_674, %exp23A_669 : vector<1024x1xf32>
    %log3A_676 = math.log %add3A_675 : vector<1024x1xf32>
    %log3A_677 = arith.constant 2.000000e+00 : f32
    %log3A_678 = math.log %log3A_677 : f32
    %div3A_679 = vector.broadcast %log3A_678 : f32 to vector<1024x1xf32>
    %div3A_680 = arith.divf %log3A_676, %div3A_679 : vector<1024x1xf32>
    %mul3A_681 = arith.constant 0.693147182 : f32
    %mul3A_682 = vector.broadcast %mul3A_681 : f32 to vector<1024x1xf32>
    %mul3A_683 = arith.mulf %div3A_680, %mul3A_682 : vector<1024x1xf32>
    %add3A_684 = arith.addf %max3A_672, %mul3A_683 : vector<1024x1xf32>
    %add3A_685 = arith.addf %add3A_684, %div3A_662 : vector<1024x1xf32>
    %reduce_sum3A_686 = vector.shape_cast %add3A_685 : vector<1024x1xf32> to vector<1x1024x1xf32>
    %reduce_sum3A_687 = arith.constant dense<0.000000e+00> : vector<1xf32>
    %reduce_sum3A_688 = vector.multi_reduction <add>, %reduce_sum3A_686, %reduce_sum3A_687 [1, 2] : vector<1x1024x1xf32> to vector<1xf32>
    %reduce_sum3A_689 = vector.shape_cast %reduce_sum3A_688 : vector<1xf32> to vector<1x1x1xf32>
    %reduce_sum3A_690 = vector.extract %reduce_sum3A_689[0, 0, 0] : f32 from vector<1x1x1xf32>
    %div3A_691 = arith.constant 1.024000e+03 : f32
    %div3A_692 = arith.divf %reduce_sum3A_690, %div3A_691 : f32
    %swap3A = arith.constant 0 : index
    %swap3A_693 = arith.constant 0 : index
    %swap3A_694 = memref.load %arg3[%swap3A, %swap3A_693] : memref<1x1xf32, #tpu.memory_space<smem>>
    memref.store %div3A_692, %arg3[%swap3A, %swap3A_693] : memref<1x1xf32, #tpu.memory_space<smem>>
    return
  }
}

</mosaic_0001>

<sc_bundles>
// kernel: kernel.5.cloned.1.call-start
scs
__scs_entry_jumppad:
0x0: {  	(pc) =	sbr.rel $0x88, $3  }
0x1: {  	(tag) =	ssettag $0x0;
	lr =	simm.s32 $0x1  }
0x2: {  	[smem:$0x3F9F] =	sst lr;
	_ =	strace $0xD0000000  }
0x3: {  	_ = 	snop  }
0x4: {  	_ = 	snop  }
0x5: {  	_ = 	snop  }
0x6: {  	_ = 	snop  }
0x7: {  	_ = 	snop  }
__scs_overlays_trampoline_lowered:
0x8: {  	[smem:$0x3FAE] =	sst s0  }
0x9: {  	[smem:$0x3FAF] =	sst s1  }
0xa: {  	[smem:$0x3FB0] =	sst s2  }
0xb: {  	[smem:$0x3FB1] =	sst s3  }
0xc: {  	[smem:$0x3FB2] =	sst s4  }
0xd: {  	[smem:$0x3FB3] =	sst s5  }
0xe: {  	[smem:$0x3FB4] =	sst s6  }
0xf: {  	[smem:$0x3FB5] =	sst s7  }
0x10: {  	[smem:$0x3FB6] =	sst s8  }
0x11: {  	[smem:$0x3FB7] =	sst s9;
	s0 =	simm.s32 @!p0 $0x0  }
0x12: {  	s1 =	sld [smem:$0x3F9D];
	s0 =	simm.s32 @p0 $0x1  }
0x13: {  	[smem:$0x3FB8] =	sst s0;
	s0 =	simm.s32 @!p1 $0x0  }
0x14: {  	s2 =	sld [smem:$0x3F9C];
	s0 =	simm.s32 @p1 $0x1  }
0x15: {  	[smem:$0x3FB9] =	sst s0;
	s0 =	simm.s32 @!p2 $0x0  }
0x16: {  	s3 =	sld [smem:$0x3FDB];
	s0 =	simm.s32 @p2 $0x1  }
0x17: {  	s4 =	simm.s32 $0x1BF5;
	[smem:$0x3FBB] =	sst s0  }
0x18: {  	s0 =	sld [smem:$0x3F9E];
	_ =	swait.ge [sflag:s4], $0x0  }
0x19: {  	s7 =	sld [smem:$0x3F9F]  }
0x1a: {  	s8 =	sadd.s32 $0xFFFFE003, lr  }
0x1b: {  	s9 =	sadd.s32 $0xFFFFFEF7, lr;
	s5 =	simm.s32 $0xFFFFFFFF;
	p2 =	slt.u32 s8, $0xFFFFF086  }
0x1c: {  	p1 =	slt.u32 s9, $0xF7A;
	s5 =	simm.s32 @!p2 $0x0  }
0x1d: {  	s5 =	simm.s32 @p1 $0x1;
	p0 =	seq.s32 s7, s2  }
0x1e: {  	s7 =	smul.u32 @!p0 $0xF7A, s2;
	p2 =	seq.s32 @!p0 s5, $0x0  }
0x1f: {  	s9 =	smul.u32 $0xF7A, s1;
	s8 =	simm.s32 @!p0 $0x1BF5;
	p2 =	por !p2, p0  }
0x20: {  	[sflag:s8] =	ssyncset.s32 @!p0 $0xFFFFF086;
	s6 =	sadd.s32 @!p0 s3, s7;
	s7 =	simm.s32 @!p0 $0x108  }
0x21: {  	s3 =	sadd.s32 s3, s9;
	s6 =	sadd.s32 @!p0 $0x88, s6;
	s7 =	simm.s32 @p2 $0x1082  }
0x22: {  	[simem:s7], [sflag:s8] =	dma.local @!p0 [hbm:s6], $0xF7A  }
0x23: {  	s9 =	sor.u32 $0xD0000000, s2;
	s6 =	simm.s32 $0x108;
	_ =	swait.ge @!p0 [sflag:s8], $0x0  }
0x24: {  	s3 =	sadd.s32 $0x88, s3;
	s6 =	simm.s32 @!p1 $0x1082;
	[sflag:s4] =	ssyncset.s32 $0xFFFFF086  }
0x25: {  	[simem:s6], [sflag:s4] =	dma.local [hbm:s3], $0xF7A  }
0x26: {  	[smem:$0x3F9F] =	sst s1;
	(tag) =	ssettag s2;
	_ =	strace s9  }
0x27: {  	s1 =	sld [smem:$0x3FAF]  }
0x28: {  	s2 =	sld [smem:$0x3FB0]  }
0x29: {  	s4 =	sld [smem:$0x3FB2]  }
0x2a: {  	p0 =	seq.s32 s5, $0x0;
	s5 =	sld [smem:$0x3FB3]  }
0x2b: {  	s6 =	sld [smem:$0x3FB4]  }
0x2c: {  	s7 =	sld [smem:$0x3FB5]  }
0x2d: {  	s3 =	simm.s32 $0x108;
	s8 =	sld [smem:$0x3FB6]  }
0x2e: {  	s3 =	simm.s32 @!p0 $0x1082;
	s9 =	sld [smem:$0x3FB7]  }
0x2f: {  	lr =	sadd.s32 s0, s3;
	s0 =	sld [smem:$0x3FAE]  }
0x30: {  	s3 =	sld [smem:$0x3FB1]  }
0x31: {  	[smem:$0x3FBA] =	sst s10  }
0x32: {  	s10 =	sld [smem:$0x3FB8];
	_ =	sdelay $0x3  }
0x33: {  	p0 =	seq.s32 s10, $0x1;
	s10 =	sld [smem:$0x3FBA];
	_ =	sdelay $0x3  }
0x34: {  	[smem:$0x3FBA] =	sst s10  }
0x35: {  	s10 =	sld [smem:$0x3FB9];
	_ =	sdelay $0x3  }
0x36: {  	p1 =	seq.s32 s10, $0x1;
	s10 =	sld [smem:$0x3FBA];
	_ =	sdelay $0x3  }
0x37: {  	[smem:$0x3FBA] =	sst s10  }
0x38: {  	s10 =	sld [smem:$0x3FBB]  }
0x39: {  	_ = 	snop;
	(pc) =	sbr.ind lr, $3  }
0x3a: {  	_ = 	snop  }
0x3b: {  	_ = 	snop  }
0x3c: {  	p2 =	seq.s32 s10, $0x1;
	s10 =	sld [smem:$0x3FBA]  }
0x3d: {  	_ =	shalt  }
0x3e: {  	_ =	shalt  }
0x3f: {  	_ =	shalt  }
0x40: {  	_ =	shalt  }
0x41: {  	_ =	shalt  }
0x42: {  	_ =	shalt  }
0x43: {  	_ =	shalt  }
0x44: {  	_ =	shalt  }
0x45: {  	_ =	shalt  }
0x46: {  	_ =	shalt  }
0x47: {  	_ =	shalt  }
0x48: {  	_ =	shalt  }
0x49: {  	_ =	shalt  }
0x4a: {  	_ =	shalt  }
0x4b: {  	_ =	shalt  }
0x4c: {  	_ =	shalt  }
0x4d: {  	_ =	shalt  }
0x4e: {  	_ =	shalt  }
0x4f: {  	_ =	shalt  }
0x50: {  	_ =	shalt  }
0x51: {  	_ =	shalt  }
0x52: {  	_ =	shalt  }
0x53: {  	_ =	shalt  }
0x54: {  	_ =	shalt  }
0x55: {  	_ =	shalt  }
0x56: {  	_ =	shalt  }
0x57: {  	_ =	shalt  }
0x58: {  	_ =	shalt  }
0x59: {  	_ =	shalt  }
0x5a: {  	_ =	shalt  }
0x5b: {  	_ =	shalt  }
0x5c: {  	_ =	shalt  }
0x5d: {  	_ =	shalt  }
0x5e: {  	_ =	shalt  }
0x5f: {  	_ =	shalt  }
0x60: {  	_ =	shalt  }
0x61: {  	_ =	shalt  }
0x62: {  	_ =	shalt  }
0x63: {  	_ =	shalt  }
0x64: {  	_ =	shalt  }
0x65: {  	_ =	shalt  }
0x66: {  	_ =	shalt  }
0x67: {  	_ =	shalt  }
0x68: {  	_ =	shalt  }
0x69: {  	_ =	shalt  }
0x6a: {  	_ =	shalt  }
0x6b: {  	_ =	shalt  }
0x6c: {  	_ =	shalt  }
0x6d: {  	_ =	shalt  }
0x6e: {  	_ =	shalt  }
0x6f: {  	_ =	shalt  }
0x70: {  	_ =	shalt  }
0x71: {  	_ =	shalt  }
0x72: {  	_ =	shalt  }
0x73: {  	_ =	shalt  }
0x74: {  	_ =	shalt  }
0x75: {  	_ =	shalt  }
0x76: {  	_ =	shalt  }
0x77: {  	_ =	shalt  }
0x78: {  	_ =	shalt  }
0x79: {  	_ =	shalt  }
0x7a: {  	_ =	shalt  }
0x7b: {  	_ =	shalt  }
0x7c: {  	_ =	shalt  }
0x7d: {  	_ =	shalt  }
0x7e: {  	_ =	shalt  }
0x7f: {  	_ =	shalt  }
0x80: {  	_ =	shalt  }
0x81: {  	_ =	shalt  }
0x82: {  	_ =	shalt  }
0x83: {  	_ =	shalt  }
0x84: {  	_ =	shalt  }
0x85: {  	_ =	shalt  }
0x86: {  	_ =	shalt  }
0x87: {  	_ =	shalt  }
.Lfunc_end0:
.L_simem_size_0:
called_computation_lowered:
.L_overlay_start_0:
0x88: {  	s2 =	sld [smem:$0x3FD9]  }
0x89: {  	s3 =	sld [smem:$0x3FFE];
	_ =	sdelay $0x1  }
0x8a: {  	s1 =	srdreg.scid  }
0x8b: {  	s0 =	sand.u32 $0x1, s1  }
0x8c: {  	s16 =	sshll.u32 s0, $0xA;
	s2 =	sadd.s32 s3, s2  }
0x8d: {  	s2 =	sadd.s32 s2, s16  }
0x8e: {  	[smem:$0x3FC6] =	sst s2  }
0x8f: {  	_ = 	snop  }
0x90: {  	(tm) =	ssettm $0x1  }
0x91: {  	s17 =	sld [smem:$0x3FFB];
	_ =	sdelay $0x3  }
0x92: {  	_ =	strace s17  }
0x93: {  	s2 =	sld [smem:$0x3FFC];
	_ =	sdelay $0x3  }
0x94: {  	_ =	strace s2  }
0x95: {  	s2 =	sld [smem:$0x3FFD];
	_ =	sdelay $0x3  }
0x96: {  	_ =	strace s2  }
0x97: {  	_ =	strace $0x8FFFFFFF  }
0x98: {  	s18 =	sld [smem:$0x3FDB];
	_ =	sdelay $0x1  }
0x99: {  	s19 =	simm.s32 $_scs_section_size  }
0x9a: {  	s4 =	simm.s32 $_size__tile_overlayer_lowered;
	s5 =	simm.s32 $_tile_overlayer_lowered  }
0x9b: {  	s22 =	simm.s32 $0x1BFF;
	s21 =	sshll.u32 s5, $0x1;
	s2 =	sadd.s32 s19, s18  }
0x9c: {  	s6 =	simm.s32 $0x0;
	s20 =	sshll.u32 s4, $0x1;
	s4 =	sadd.s32 s21, s2  }
0x9d: {  	[timem:s6], [sflag:s22] =	dma.local [hbm:s4], s20  }
0x9e: {  	_ =	swait.ge [sflag:s22], s20  }
0x9f: {  	s3 =	ssub.s32 $0x0, s20;
	[sflag:s22] =	ssyncset.done $0x0  }
0xa0: {  	[sflag:s22] =	ssyncadd.s32 s3;
	_ =	sdelay $0x1  }
0xa1: {  	s23 =	simm.s32 $0x1B8B  }
0xa2: {  	_ =	swait.ge [sflag:s23], $0x1  }
0xa3: {  	[sflag:s23] =	ssyncset.done $0x0  }
0xa4: {  	s25 =	simm.s32 $0x1B8E;
	s24 =	sld [smem:$0x3FFE];
	[sflag:s23] =	ssyncadd.s32 $0xFFFFFFFF  }
0xa5: {  	s26 =	simm.s32 $execute0_lowered;
	[smem:$0x3FD2] =	sst s25  }
0xa6: {  	s4 =	sshll.u32 s26, $0x1;
	_ =	strace $0x80000046;
	[dreg:$0x1] =	wrdreg $0xFFFFFFFF  }
0xa7: {  	s28 =	simm.s32 $_size_execute0_lowered;
	s2 =	sadd.s32 s2, s4;
	[dreg:$0x0] =	wrdreg $0x0  }
0xa8: {  	s4 =	sshll.u32 s28, $0x1;
	[dreg:$0x2] =	wrdreg s2  }
0xa9: {  	[dreg:$0x3] =	wrdreg s4  }
0xaa: {  	[dreg:$0x4] =	wrdreg $0xC0  }
0xab: {  	_ =	task [dreg:s6], $0x5FFFF  }
0xac: {  	[dreg:$0x1] =	wrdreg $0xFFFFFFFF  }
0xad: {  	[dreg:$0x0] =	wrdreg $0x60  }
0xae: {  	[dreg:$0x2] =	wrdreg s24  }
0xaf: {  	[dreg:$0x3] =	wrdreg $0x9  }
0xb0: {  	_ =	task.clear_ibuf [dreg:s6], $0x4FFFF;
	_ =	strace $0x90000046  }
0xb1: {  	s29 =	simm.s32 $0x9;
	_ =	strace $0x80000048  }
0xb2: {  	_ =	swait.ge [sflag:s29], $0x1  }
0xb3: {  	[sflag:s29] =	ssyncadd.s32 $0xFFFFFFFF  }
0xb4: {  	_ =	strace $0x90000048  }
0xb5: {  	_ =	sfence  }
0xb6: {  	s30 =	sld [smem:$0x0];
	_ =	sdelay $0x2  }
0xb7: {  	s31 =	sshll.u32 s1, $0xD;
	s1 =	sshrl.u32 s1, $0x2  }
0xb8: {  	s3 =	sand.u32 $0x4000, s31;
	s1 =	sadd.s32 s1, s30  }
0xb9: {  	s0 =	sor.u32 s3, s0;
	s1 =	sshll.u32 s1, $0x11  }
0xba: {  	s0 =	sor.u32 s1, s0  }
0xbb: {  	s0 =	sadd.s32 $0x8F2B, s0  }
0xbc: {  	[sflag:s0] =	ssyncadd.remote.s32 $0x1  }
0xbd: {  	_ =	sfence.sel $0xFFFF  }
0xbe: {  	[dreg:$0x0] =	wrdreg $0xFFFFFFFF;
	(pc) =	sbr.abs _section_cstart, $3  }
0xbf: {  	[dreg:$0x1] =	wrdreg $0xFFFFFFFF  }
0xc0: {  	_ =	task.clear_ibuf [dreg:s6], $0x2FFFF;
	_ =	strace $0x9FFFFFFF  }
0xc1: {  	(tm) =	ssettm $0x7FFFFFFF  }
tec
execute0_lowered:
.L_overlay_start_1:
0x0: {  	(tag) =	ssettag $0x1  }
0x1: {  	s1 =	srdreg.scid;
	s0 =	stileid.u32  }
0x2: {  	s6 =	sand.u32 $0x1, s1;
	s30 =	sshll.u32 s0, $0x1  }
0x3: {  	s9 =	rddreg [dreg:$0x0];
	s7 =	sor.u32 s6, s30  }
0x4: {  	s2 =	simm.s32 $0x0;
	s1 =	rddreg [dreg:$0x1];
	s3 =	smul.u32 $0x14, s7  }
0x5: {  	s8 =	simm.s32 $0x1;
	[smem:$0x7FF] =	sst s2;
	s5 =	sadd.s32 $0xC39200, s9  }
0x6: {  	_ =	strace $0x80000047;
	s11 =	ssub.s32 $0x2, s6;
	s3 =	sadd.s32 s3, s9  }
0x7: {  	s6 =	simm.s32 $0xA0;
	s4 =	sadd.s32 $0x5000, s3;
	s3 =	simm.s32 $0x2  }
0x8: {  	[tilespmem:s2], [sflag:$0x2] =	stream.linear.gather [hbm4b:s4+s2], $0xA0, $0x38;
	[tilespmem:$0x5100] =	vst v63  }
0x9: {  	s10 =	smul.u32 $0xA00, s7;
	s12 =	sshrl.u32 s11, $0x1;
	_ =	swait.ge [sflag:s3], $0xA0  }
0xa: {  	s7 =	simm.s32 $0x100;
	s31 =	ssub.s32 s11, s12;
	[sflag:s3] =	ssyncset.done $0x0  }
0xb: {  	s9 =	sadd.s32 s10, s9;
	s10 =	smax.u32 s31, $0x1;
	[sflag:s3] =	ssyncadd.s32 $0xFFFFFF60  }
0xc: {  	[tilespmem:s7], [sflag:$0x1] =	stream.indirect.gather [hbm4b:s5+s6], $0x80, s2, s6, $0xb8;
	[tilespmem:$0x5100] =	vst v63  }
0xd: {  	p0 =	sne.s32 s10, $0x1;
	_ =	swait.ge [sflag:s8], $0x5000  }
.Ltmp0:
0xe: {  	[sflag:s8] =	ssyncset.done $0x0;
	(pc) =	sbr.rel @!p0 .LBB2_2-.Ltmp0, $4  }
0xf: {  	s9 =	sadd.s32 $0x5400, s9;
	[sflag:s8] =	ssyncadd.s32 $0xFFFFB000  }
0x10: {  	[hbm4b:s9+s2] =	stream.linear.scatter [tilespmem:s7], [sflag:$0x2], $0x5000, $0x38;
	[tilespmem:$0x5100] =	vst v63  }
0x11: {  	_ =	swait.ge [sflag:s3], $0x5000  }
0x12: {  	s10 =	sadd.s32 $0xFFFFFFFF, s10;
	[sflag:s3] =	ssyncset.done $0x0  }
.LBB2_1:
0x13: {  	p0 =	sne.s32 s10, $0x1;
	s10 =	sadd.s32 $0xFFFFFFFF, s10;
	[sflag:s3] =	ssyncadd.s32 $0xFFFFB000  }
0x14: {  	[tilespmem:s2], [sflag:$0x2] =	stream.linear.gather [hbm4b:s4+s2], $0xA0, $0x38;
	[tilespmem:$0x5100] =	vst v63  }
0x15: {  	_ =	swait.ge [sflag:s3], $0xA0  }
0x16: {  	[sflag:s3] =	ssyncset.done $0x0  }
0x17: {  	[sflag:s3] =	ssyncadd.s32 $0xFFFFFF60  }
0x18: {  	[tilespmem:s7], [sflag:$0x1] =	stream.indirect.gather [hbm4b:s5+s6], $0x80, s2, s6, $0xb8;
	[tilespmem:$0x5100] =	vst v63  }
0x19: {  	_ =	swait.ge [sflag:s8], $0x5000  }
.Ltmp1:
0x1a: {  	[sflag:s8] =	ssyncset.done $0x0;
	(pc) =	sbr.rel @p0 .LBB2_1-.Ltmp1, $4  }
0x1b: {  	[sflag:s8] =	ssyncadd.s32 $0xFFFFB000  }
0x1c: {  	[hbm4b:s9+s2] =	stream.linear.scatter [tilespmem:s7], [sflag:$0x2], $0x5000, $0x38;
	[tilespmem:$0x5100] =	vst v63  }
0x1d: {  	_ =	swait.ge [sflag:s3], $0x5000  }
0x1e: {  	[sflag:s3] =	ssyncset.done $0x0  }
.LBB2_2:
0x1f: {  	[sflag:s3] =	ssyncadd.s32 $0xFFFFB000  }
0x20: {  	_ =	sfence.sel $0x180000  }
0x21: {  	[bflag:$0x0] =	sbarrier.arrive $0xFFFF  }
0x22: {  	p0 =	sne.s32 s0, $0x0;
	_ =	strace $0x90000047  }
0x23: {  	s0 =	sadd.s32 @!p0 $0x100000, s1;
	[bflag:$0x2] =	sbarrier.arrive $0xFFFF  }
0x24: {  	[sflag:s0] =	ssyncadd.tile.s32 @!p0 $0x1;
	_ =	shalt  }
.Lfunc_end2:
_tile_overlayer_lowered:
.L_overlay_start_2:
0x25: {  	(tag) =	ssettag $0x2  }
0x26: {  	s0 =	rddreg [dreg:$0x0];
	s2 =	stileid.u32  }
0x27: {  	s1 =	rddreg [dreg:$0x1];
	p0 =	sne.s32 s2, $0x0  }
0x28: {  	s3 =	rddreg [dreg:$0x2];
	[bflag:$0x3] =	sbarrier.arrive $0xFFFF;
	s2 =	simm.s32 @!p0 $0x1C02  }
0x29: {  	[timem:s3], [sflag:s2] =	dma.local @!p0 [hbm:s0], s1  }
0x2a: {  	s0 =	simm.s32 @!p0 $0x2  }
0x2b: {  	_ =	swait.ge @!p0 [sflag:s0], s1  }
0x2c: {  	s1 =	ssub.s32 @!p0 $0x0, s1;
	[sflag:s0] =	ssyncset.done @!p0 $0x0  }
0x2d: {  	[sflag:s0] =	ssyncadd.s32 @!p0 s1  }
0x2e: {  	[bflag:$0x3] =	sbarrier.arrive $0xFFFF  }
0x2f: {  	_ =	shalt  }

</sc_bundles>
